<compile_context>
chip_gen: v7x
topology: tpu7x:2x2x1
jax: 0.10.2.dev20260603
libtpu: 0.0.44.dev20260713+nightly
codegen_flags: <defaults>
</compile_context>

<pallas_src>
import functools

import jax
import jax.numpy as jnp
from jax import lax
from jax.experimental import pallas as pl
from jax.experimental.pallas import tpu as pltpu
from jax.experimental.pallas import tpu_sc as plsc

_B, _C, _N, _M, _K = 16, 256, 4096, 1024, 3
_O = 512
_EPS = 1e-5
_BN = _B * _N

_NBQ = 1024
_NBX = 1024

_NW = 32
_CHUNK = 64
_ROWS_W = _BN // _NW
_NCH = _ROWS_W // _CHUNK



def _knn_body(q_ref, s_ref, idx_ref, w_ref):
    b = pl.program_id(0)
    q = q_ref[0]
    s = s_ref[0]
    qn = jnp.sum(q * q, axis=0)
    sn = jnp.sum(s * s, axis=0)
    cross = lax.dot_general(q, s, (((0,), (0,)), ((), ())),
                            preferred_element_type=jnp.float32)
    d2 = qn[:, None] + sn[None, :] - 2.0 * cross
    colsf = lax.broadcasted_iota(jnp.int32, (_NBQ, _M), 1).astype(jnp.float32)
    idxs, dks = [], []
    for kk in range(_K):
        dmin = jnp.min(d2, axis=1)
        hit = d2 <= dmin[:, None]
        aminf = jnp.min(jnp.where(hit, colsf, jnp.float32(_M)), axis=1)
        if kk < _K - 1:
            d2 = jnp.where(colsf == aminf[:, None], jnp.inf, d2)
        idxs.append(aminf.astype(jnp.int32))
        dks.append(jnp.sqrt(jnp.maximum(dmin, 1e-12)))
    w = jnp.stack([1.0 / (dk + _EPS) for dk in dks], axis=0)
    w = w / jnp.sum(w, axis=0, keepdims=True)
    idx_ref[0] = jnp.stack(idxs, axis=0) + b * _M
    w_ref[0] = w


def _knn(qpad, spad):
    nblk = _N // _NBQ
    return pl.pallas_call(
        _knn_body,
        grid=(_B, nblk),
        in_specs=[
            pl.BlockSpec((1, 8, _NBQ), lambda b, n: (b, 0, n)),
            pl.BlockSpec((1, 8, _M), lambda b, n: (b, 0, 0)),
        ],
        out_specs=[
            pl.BlockSpec((1, _K, _NBQ), lambda b, n: (b * 2 + n // 2, 0, n % 2)),
            pl.BlockSpec((1, _K, _NBQ), lambda b, n: (b * 2 + n // 2, 0, n % 2)),
        ],
        out_shape=[
            jax.ShapeDtypeStruct((_NW, _K, _ROWS_W), jnp.int32),
            jax.ShapeDtypeStruct((_NW, _K, _ROWS_W), jnp.float32),
        ],
    )(qpad, spad)



def _gather(table, fidx):
    mesh = plsc.VectorSubcoreMesh(core_axis_name="c", subcore_axis_name="s")

    @functools.partial(
        pl.kernel, mesh=mesh,
        out_type=jax.ShapeDtypeStruct((_K, _BN, 128), jnp.int32),
        scratch_types=[
            pltpu.VMEM((_K, _ROWS_W), jnp.int32),
            pltpu.VMEM((_CHUNK, 128), jnp.int32),
            pltpu.VMEM((_CHUNK, 128), jnp.int32),
            pltpu.VMEM((_CHUNK, 128), jnp.int32),
            pltpu.VMEM((_CHUNK, 128), jnp.int32),
            pltpu.VMEM((_CHUNK, 128), jnp.int32),
            pltpu.VMEM((_CHUNK, 128), jnp.int32),
            pltpu.SemaphoreType.DMA,
            pltpu.SemaphoreType.DMA,
        ],
    )
    def k(table_hbm, idx_hbm, out_hbm,
          idxv, ga0, ga1, ga2, gb0, gb1, gb2, sem, osem):
        wid = lax.axis_index("s") * 2 + lax.axis_index("c")
        base = wid * _ROWS_W
        pltpu.sync_copy(idx_hbm.at[wid], idxv)

        def fire(c, bufs):
            cps = []
            for kk, gb in enumerate(bufs):
                isl = idxv.at[kk, pl.ds(c * _CHUNK, _CHUNK)]
                cps.append(pltpu.async_copy(table_hbm.at[isl], gb, sem))
            return cps

        def wb(c, bufs):
            ocps = []
            for kk, gb in enumerate(bufs):
                dst = out_hbm.at[kk, pl.ds(base + c * _CHUNK, _CHUNK)]
                ocps.append(pltpu.async_copy(gb, dst, osem))
            return ocps

        bufs_a = (ga0, ga1, ga2)
        bufs_b = (gb0, gb1, gb2)

        def pair(p, carry):
            ca = p * 2
            cb = p * 2 + 1
            cps_a = fire(ca, bufs_a)
            cps_b = fire(cb, bufs_b)
            for cp in cps_a:
                cp.wait()
            owa = wb(ca, bufs_a)
            for cp in cps_b:
                cp.wait()
            owb = wb(cb, bufs_b)
            for cp in owa + owb:
                cp.wait()
            return carry

        lax.fori_loop(0, _NCH // 2, pair, 0)

    return k(table, fidx)



def _gelu(x):
    return 0.5 * x * (1.0 + lax.erf(x * 0.7071067811865476))


def _partials(y):
    s = jnp.sum(y, axis=1)
    ss = jnp.sum(y * y, axis=1)
    return jnp.concatenate([s[None], ss[None],
                            jnp.zeros((6, _O), jnp.float32)], axis=0)


def _unpack(gi):
    lo = lax.bitcast_convert_type(jnp.left_shift(gi, 16), jnp.float32)
    hi = lax.bitcast_convert_type(jnp.bitwise_and(gi, jnp.int32(-65536)),
                                  jnp.float32)
    return lo, hi


def _mlp1_body(ox_ref, g0_ref, g1_ref, g2_ref, wt_ref, w_ref, y_ref, ps_ref):
    ox = ox_ref[0]
    w3 = wt_ref[0]
    lo0, hi0 = _unpack(g0_ref[0])
    lo1, hi1 = _unpack(g1_ref[0])
    lo2, hi2 = _unpack(g2_ref[0])
    w0 = w3[0][:, None]
    w1 = w3[1][:, None]
    w2 = w3[2][:, None]
    ng = jnp.concatenate(
        [w0 * lo0 + w1 * lo1 + w2 * lo2,
         w0 * hi0 + w1 * hi1 + w2 * hi2], axis=1)
    w = w_ref[...]
    oxb = ox.astype(jnp.bfloat16)
    ngb = ng.astype(jnp.bfloat16)
    y = (lax.dot_general(w[:, :_C], oxb, (((1,), (0,)), ((), ())),
                         preferred_element_type=jnp.float32)
         + lax.dot_general(w[:, _C:], ngb, (((1,), (1,)), ((), ())),
                           preferred_element_type=jnp.float32))
    y_ref[0] = y.astype(jnp.bfloat16)
    ps_ref[0] = _partials(y)


def _mlp1(ori_x, gth, wts, W1):
    nblk = _N // _NBX
    gspec = [
        pl.BlockSpec((1, _NBX, 128),
                     functools.partial(lambda kk, b, n: (kk, b * nblk + n, 0), kk))
        for kk in range(_K)
    ]
    return pl.pallas_call(
        _mlp1_body,
        grid=(_B, nblk),
        in_specs=[
            pl.BlockSpec((1, _C, _NBX), lambda b, n: (b, 0, n)),
            gspec[0], gspec[1], gspec[2],
            pl.BlockSpec((1, _K, _NBX), lambda b, n: (b * 2 + n // 2, 0, n % 2)),
            pl.BlockSpec((_O, 2 * _C), lambda b, n: (0, 0)),
        ],
        out_specs=[
            pl.BlockSpec((1, _O, _NBX), lambda b, n: (b, 0, n)),
            pl.BlockSpec((1, 8, _O), lambda b, n: (b * nblk + n, 0, 0)),
        ],
        out_shape=[
            jax.ShapeDtypeStruct((_B, _O, _N), jnp.bfloat16),
            jax.ShapeDtypeStruct((_B * nblk, 8, _O), jnp.float32),
        ],
    )(ori_x, gth, gth, gth, wts, W1)


def _mlp2_body(y1_ref, p_ref, w_ref, y_ref, ps_ref):
    p = p_ref[...]
    y1 = y1_ref[0].astype(jnp.float32)
    h = (y1 - p[:, 0:1]) * p[:, 1:2] * p[:, 2:3] + p[:, 3:4]
    h = _gelu(h).astype(jnp.bfloat16)
    y = lax.dot_general(w_ref[...], h, (((1,), (0,)), ((), ())),
                        preferred_element_type=jnp.float32)
    y_ref[0] = y.astype(jnp.bfloat16)
    ps_ref[0] = _partials(y)


def _mlp2(y1, p1, W2):
    nblk = _N // _NBX
    return pl.pallas_call(
        _mlp2_body,
        grid=(_B, nblk),
        in_specs=[
            pl.BlockSpec((1, _O, _NBX), lambda b, n: (b, 0, n)),
            pl.BlockSpec((_O, 8), lambda b, n: (0, 0)),
            pl.BlockSpec((_O, _O), lambda b, n: (0, 0)),
        ],
        out_specs=[
            pl.BlockSpec((1, _O, _NBX), lambda b, n: (b, 0, n)),
            pl.BlockSpec((1, 8, _O), lambda b, n: (b * nblk + n, 0, 0)),
        ],
        out_shape=[
            jax.ShapeDtypeStruct((_B, _O, _N), jnp.bfloat16),
            jax.ShapeDtypeStruct((_B * nblk, 8, _O), jnp.float32),
        ],
    )(y1, p1, W2)


def _norm_body(y_ref, p_ref, o_ref):
    p = p_ref[...]
    y = y_ref[0].astype(jnp.float32)
    h = (y - p[:, 0:1]) * p[:, 1:2] * p[:, 2:3] + p[:, 3:4]
    o_ref[0] = _gelu(h)


def _norm(y2, p2):
    return pl.pallas_call(
        _norm_body,
        grid=(_B, _N // _NBX),
        in_specs=[
            pl.BlockSpec((1, _O, _NBX), lambda b, n: (b, 0, n)),
            pl.BlockSpec((_O, 8), lambda b, n: (0, 0)),
        ],
        out_specs=pl.BlockSpec((1, _O, _NBX), lambda b, n: (b, 0, n)),
        out_shape=jax.ShapeDtypeStruct((_B, _O, _N), jnp.float32),
    )(y2, p2)


def _bn_params(ps, g, b):
    cnt = float(_BN)
    mu = jnp.sum(ps[:, 0, :], axis=0) / cnt
    var = jnp.maximum(jnp.sum(ps[:, 1, :], axis=0) / cnt - mu * mu, 0.0)
    rstd = 1.0 / jnp.sqrt(var + 1e-5)
    z = jnp.zeros_like(g)
    return jnp.stack([mu, rstd, g, b, z, z, z, z], axis=1)



def kernel(ori_x, ori_xyz, sub_x, sub_xyz, W1, g1, b1, W2, g2, b2):
    qpad = jnp.pad(ori_xyz, ((0, 0), (0, 5), (0, 0)))
    spad = jnp.pad(sub_xyz, ((0, 0), (0, 5), (0, 0)))
    fidx, wts = _knn(qpad, spad)
    tb = jnp.transpose(sub_x, (0, 2, 1)).reshape(_B * _M, _C)
    bits = lax.bitcast_convert_type(tb.astype(jnp.bfloat16), jnp.uint16)
    packed = lax.bitcast_convert_type(
        bits[:, :128].astype(jnp.uint32)
        | (bits[:, 128:].astype(jnp.uint32) << 16), jnp.int32)
    gth = _gather(packed, fidx)
    y1, ps1 = _mlp1(ori_x, gth, wts, W1.astype(jnp.bfloat16))
    y2, ps2 = _mlp2(y1, _bn_params(ps1, g1, b1), W2.astype(jnp.bfloat16))
    return _norm(y2, _bn_params(ps2, g2, b2))

# --- scband reference (transcript-rebuilt; emitter-appended) ---
"""Pipeline reference for scband-up-block-4638564680291 (READ-ONLY COPY).

The authoritative reference and input builder live on the scoring server;
editing this copy changes nothing except your own understanding.
"""

import jax, jax.numpy as jnp
import numpy as np

B, C, N, M = 16, 256, 4096, 1024
DIMS = (512, 512)
IN_DIM = 2 * C
K = 3
EPS = 1e-05


def setup_inputs(seed: int = 0) -> dict:
    key = jax.random.key(seed)
    ks = jax.random.split(key, 10)
    ori_x = jax.random.normal(ks[0], (B, C, N), dtype=jnp.float32)
    ori_xyz = jax.random.normal(ks[1], (B, 3, N), dtype=jnp.float32)
    sub_x = jax.random.normal(ks[2], (B, C, M), dtype=jnp.float32)
    sub_xyz = jax.random.normal(ks[3], (B, 3, M), dtype=jnp.float32)
    W1 = jax.random.normal(ks[4], (DIMS[0], IN_DIM), dtype=jnp.float32) * (1.0 / np.sqrt(IN_DIM))
    g1 = jnp.ones((DIMS[0],), dtype=jnp.float32)
    b1 = jnp.zeros((DIMS[0],), dtype=jnp.float32)
    W2 = jax.random.normal(ks[5], (DIMS[1], DIMS[0]), dtype=jnp.float32) * (1.0 / np.sqrt(DIMS[0]))
    g2 = jnp.ones((DIMS[1],), dtype=jnp.float32)
    b2 = jnp.zeros((DIMS[1],), dtype=jnp.float32)
    return {"ori_x": ori_x, "ori_xyz": ori_xyz, "sub_x": sub_x, "sub_xyz": sub_xyz,
            "W1": W1, "g1": g1, "b1": b1, "W2": W2, "g2": g2, "b2": b2}


def _conv_bn_gelu(h, W, g, b):
    # 1x1 Conv1d (no bias) -> BatchNorm1d (training-mode batch stats) -> exact GELU
    y = jnp.einsum('oi,bin->bon', W, h)
    mu = jnp.mean(y, axis=(0, 2), keepdims=True)
    var = jnp.var(y, axis=(0, 2), keepdims=True)
    y = (y - mu) / jnp.sqrt(var + 1e-05)
    y = y * g[None, :, None] + b[None, :, None]
    return jax.nn.gelu(y, approximate=False)


def reference(ori_x, ori_xyz, sub_x, sub_xyz, W1, g1, b1, W2, g2, b2):
    # knn(src=sub_xyz, query=ori_xyz, k=K): pairwise dists [B, N, M]
    q = jnp.transpose(ori_xyz, (0, 2, 1))  # [B, N, 3]
    s = jnp.transpose(sub_xyz, (0, 2, 1))  # [B, M, 3]
    d2 = (jnp.sum(q * q, axis=-1)[:, :, None]
          + jnp.sum(s * s, axis=-1)[:, None, :]
          - 2.0 * jnp.einsum('bnd,bmd->bnm', q, s))
    dists = jnp.sqrt(jnp.maximum(d2, 1e-12))
    neg_d, idx = jax.lax.top_k(-dists, K)  # smallest-K distances
    dk = -neg_d                            # [B, N, K]
    # inverse-distance interpolation weights
    w = 1.0 / (dk + EPS)
    w = w / jnp.sum(w, axis=-1, keepdims=True)
    # gather neighbor features: sub_x [B, C, M], idx [B, N, K] -> [B, C, N, K]
    neighbor = jax.vmap(lambda x, i: x[:, i])(sub_x, idx)
    neigh_x = jnp.sum(w[:, None, :, :] * neighbor, axis=-1)  # [B, C, N]
    h = jnp.concatenate([ori_x, neigh_x], axis=1)            # [B, 2C, N]
    h = _conv_bn_gelu(h, W1, g1, b1)
    h = _conv_bn_gelu(h, W2, g2, b2)
    return h

if __name__ == "__main__":
    import jax
    _d = setup_inputs()
    print(jax.jit(kernel)(*tuple(_d.values())))

</pallas_src>

<mosaic_0001>
#map = affine_map<(d0, d1) -> (0, 0)>
#map1 = affine_map<(d0, d1) -> (0, 0, 0)>
module attributes {stable_mosaic.version = 14 : i64} {
  func.func @k(%arg0: i32, %arg1: i32, %arg2: memref<16384x128xi32, #tpu.memory_space<hbm>>, %arg3: memref<32x3x2048xi32, #tpu.memory_space<hbm>>, %arg4: memref<3x65536x128xi32, #tpu.memory_space<hbm>>, %arg5: memref<3x2048xi32, #tpu.memory_space<vmem>>, %arg6: memref<64x128xi32, #tpu.memory_space<vmem>>, %arg7: memref<64x128xi32, #tpu.memory_space<vmem>>, %arg8: memref<64x128xi32, #tpu.memory_space<vmem>>, %arg9: memref<64x128xi32, #tpu.memory_space<vmem>>, %arg10: memref<64x128xi32, #tpu.memory_space<vmem>>, %arg11: memref<64x128xi32, #tpu.memory_space<vmem>>, %arg12: memref<!tpu.dma_semaphore, #tpu.memory_space<semaphore_mem>>, %arg13: memref<!tpu.dma_semaphore, #tpu.memory_space<semaphore_mem>>) attributes {dimension_semantics = [#tpu.dimension_semantics<core_parallel>, #tpu.dimension_semantics<subcore_parallel>], iteration_bounds = array<i64: 2, 16>, scalar_prefetch = 0 : i64, scratch_operands = 9 : i64, tpu.core_type = #tpu.core_type<sc_vector_subcore>, window_params = [{transform_indices = #map}, {transform_indices = #map1}, {transform_indices = #map1}]} {
    %mul3A = arith.constant 2 : i32
    %mul3A_0 = arith.muli %arg1, %mul3A : i32
    %add3A = arith.addi %mul3A_0, %arg0 : i32
    %mul3A_1 = arith.constant 2048 : i32
    %mul3A_2 = arith.muli %add3A, %mul3A_1 : i32
    "tpu.region"() ({
      %run_scoped3A = tpu.sem_alloc : memref<!tpu.dma_semaphore, #tpu.memory_space<semaphore_mem>>
      %dma_start3A = arith.constant 0 : i32
      %dma_start3A_8 = arith.constant 0 : i32
      %dma_start3A_9 = tpu.memref_slice %arg3[%add3A, %dma_start3A, %dma_start3A_8] : memref<32x3x2048xi32, #tpu.memory_space<hbm>> -> memref<1x3x2048xi32, #tpu.memory_space<hbm>>
      %dma_start3A_10 = tpu.memref_squeeze %dma_start3A_9 : memref<1x3x2048xi32, #tpu.memory_space<hbm>> -> memref<3x2048xi32, #tpu.memory_space<hbm>>
      %dma_start3A_11 = arith.constant 0 : i32
      %dma_start3A_12 = arith.constant 0 : i32
      %dma_start3A_13 = tpu.memref_slice %arg3[%add3A, %dma_start3A_11, %dma_start3A_12] : memref<32x3x2048xi32, #tpu.memory_space<hbm>> -> memref<1x3x2048xi32, #tpu.memory_space<hbm>>
      %dma_start3A_14 = tpu.memref_squeeze %dma_start3A_13 : memref<1x3x2048xi32, #tpu.memory_space<hbm>> -> memref<3x2048xi32, #tpu.memory_space<hbm>>
      tpu.enqueue_dma source(%dma_start3A_14 : memref<3x2048xi32, #tpu.memory_space<hbm>>) target(%arg5 : memref<3x2048xi32, #tpu.memory_space<vmem>>) target_semaphore(%run_scoped3A : memref<!tpu.dma_semaphore, #tpu.memory_space<semaphore_mem>>)
      %dma_wait3A = arith.constant 0 : i32
      %dma_wait3A_15 = arith.constant 0 : i32
      %dma_wait3A_16 = tpu.memref_slice %arg3[%add3A, %dma_wait3A, %dma_wait3A_15] : memref<32x3x2048xi32, #tpu.memory_space<hbm>> -> memref<1x3x2048xi32, #tpu.memory_space<hbm>>
      %dma_wait3A_17 = tpu.memref_squeeze %dma_wait3A_16 : memref<1x3x2048xi32, #tpu.memory_space<hbm>> -> memref<3x2048xi32, #tpu.memory_space<hbm>>
      %dma_wait3A_18 = arith.constant 0 : i32
      %dma_wait3A_19 = arith.constant 0 : i32
      %dma_wait3A_20 = tpu.memref_slice %arg3[%add3A, %dma_wait3A_18, %dma_wait3A_19] : memref<32x3x2048xi32, #tpu.memory_space<hbm>> -> memref<1x3x2048xi32, #tpu.memory_space<hbm>>
      %dma_wait3A_21 = tpu.memref_squeeze %dma_wait3A_20 : memref<1x3x2048xi32, #tpu.memory_space<hbm>> -> memref<3x2048xi32, #tpu.memory_space<hbm>>
      tpu.wait_dma2 semaphore(%run_scoped3A : memref<!tpu.dma_semaphore, #tpu.memory_space<semaphore_mem>>) src(%dma_wait3A_21 : memref<3x2048xi32, #tpu.memory_space<hbm>>) dst(%arg5 : memref<3x2048xi32, #tpu.memory_space<vmem>>)
      tpu.yield
    }) : () -> ()
    %scan3A = arith.constant 0 : i32
    %scan3A_3 = arith.constant 0 : i32
    %scan3A_4 = arith.constant 16 : i32
    %scan3A_5 = arith.addi %scan3A_3, %scan3A_4 : i32
    %scan3A_6 = arith.constant 1 : i32
    scf.for %scan3A_8 = %scan3A_3 to %scan3A_5 step %scan3A_6  : i32 {
      %mul3A_9 = arith.constant 2 : i32
      %mul3A_10 = arith.muli %scan3A_8, %mul3A_9 : i32
      %mul3A_11 = arith.constant 2 : i32
      %mul3A_12 = arith.muli %scan3A_8, %mul3A_11 : i32
      %add3A_13 = arith.constant 1 : i32
      %add3A_14 = arith.addi %mul3A_12, %add3A_13 : i32
      %mul3A_15 = arith.constant 64 : i32
      %mul3A_16 = arith.muli %mul3A_10, %mul3A_15 : i32
      %dma_start3A = arith.constant 0 : i32
      %dma_start3A_17 = tpu.memref_slice %arg5[%dma_start3A, %mul3A_16] : memref<3x2048xi32, #tpu.memory_space<vmem>> -> memref<1x64xi32, #tpu.memory_space<vmem>>
      %dma_start3A_18 = tpu.memref_squeeze %dma_start3A_17 : memref<1x64xi32, #tpu.memory_space<vmem>> -> memref<64xi32, #tpu.memory_space<vmem>>
      %dma_start3A_19 = arith.constant 0 : i32
      %dma_start3A_20 = arith.constant 0 : i32
      %dma_start3A_21 = tpu.memref_slice %arg2[%dma_start3A_19, %dma_start3A_20] : memref<16384x128xi32, #tpu.memory_space<hbm>> -> memref<16384x128xi32, #tpu.memory_space<hbm>>
      tpu.enqueue_indirect_dma source(%dma_start3A_21 : memref<16384x128xi32, #tpu.memory_space<hbm>>) target(%arg6 : memref<64x128xi32, #tpu.memory_space<vmem>>) offsets(%dma_start3A_18 : memref<64xi32, #tpu.memory_space<vmem>>) semaphore(%arg12 : memref<!tpu.dma_semaphore, #tpu.memory_space<semaphore_mem>>)
      %mul3A_22 = arith.constant 64 : i32
      %mul3A_23 = arith.muli %mul3A_10, %mul3A_22 : i32
      %dma_start3A_24 = arith.constant 1 : i32
      %dma_start3A_25 = tpu.memref_slice %arg5[%dma_start3A_24, %mul3A_23] : memref<3x2048xi32, #tpu.memory_space<vmem>> -> memref<1x64xi32, #tpu.memory_space<vmem>>
      %dma_start3A_26 = tpu.memref_squeeze %dma_start3A_25 : memref<1x64xi32, #tpu.memory_space<vmem>> -> memref<64xi32, #tpu.memory_space<vmem>>
      %dma_start3A_27 = arith.constant 0 : i32
      %dma_start3A_28 = arith.constant 0 : i32
      %dma_start3A_29 = tpu.memref_slice %arg2[%dma_start3A_27, %dma_start3A_28] : memref<16384x128xi32, #tpu.memory_space<hbm>> -> memref<16384x128xi32, #tpu.memory_space<hbm>>
      tpu.enqueue_indirect_dma source(%dma_start3A_29 : memref<16384x128xi32, #tpu.memory_space<hbm>>) target(%arg7 : memref<64x128xi32, #tpu.memory_space<vmem>>) offsets(%dma_start3A_26 : memref<64xi32, #tpu.memory_space<vmem>>) semaphore(%arg12 : memref<!tpu.dma_semaphore, #tpu.memory_space<semaphore_mem>>)
      %mul3A_30 = arith.constant 64 : i32
      %mul3A_31 = arith.muli %mul3A_10, %mul3A_30 : i32
      %dma_start3A_32 = arith.constant 2 : i32
      %dma_start3A_33 = tpu.memref_slice %arg5[%dma_start3A_32, %mul3A_31] : memref<3x2048xi32, #tpu.memory_space<vmem>> -> memref<1x64xi32, #tpu.memory_space<vmem>>
      %dma_start3A_34 = tpu.memref_squeeze %dma_start3A_33 : memref<1x64xi32, #tpu.memory_space<vmem>> -> memref<64xi32, #tpu.memory_space<vmem>>
      %dma_start3A_35 = arith.constant 0 : i32
      %dma_start3A_36 = arith.constant 0 : i32
      %dma_start3A_37 = tpu.memref_slice %arg2[%dma_start3A_35, %dma_start3A_36] : memref<16384x128xi32, #tpu.memory_space<hbm>> -> memref<16384x128xi32, #tpu.memory_space<hbm>>
      tpu.enqueue_indirect_dma source(%dma_start3A_37 : memref<16384x128xi32, #tpu.memory_space<hbm>>) target(%arg8 : memref<64x128xi32, #tpu.memory_space<vmem>>) offsets(%dma_start3A_34 : memref<64xi32, #tpu.memory_space<vmem>>) semaphore(%arg12 : memref<!tpu.dma_semaphore, #tpu.memory_space<semaphore_mem>>)
      %mul3A_38 = arith.constant 64 : i32
      %mul3A_39 = arith.muli %add3A_14, %mul3A_38 : i32
      %dma_start3A_40 = arith.constant 0 : i32
      %dma_start3A_41 = tpu.memref_slice %arg5[%dma_start3A_40, %mul3A_39] : memref<3x2048xi32, #tpu.memory_space<vmem>> -> memref<1x64xi32, #tpu.memory_space<vmem>>
      %dma_start3A_42 = tpu.memref_squeeze %dma_start3A_41 : memref<1x64xi32, #tpu.memory_space<vmem>> -> memref<64xi32, #tpu.memory_space<vmem>>
      %dma_start3A_43 = arith.constant 0 : i32
      %dma_start3A_44 = arith.constant 0 : i32
      %dma_start3A_45 = tpu.memref_slice %arg2[%dma_start3A_43, %dma_start3A_44] : memref<16384x128xi32, #tpu.memory_space<hbm>> -> memref<16384x128xi32, #tpu.memory_space<hbm>>
      tpu.enqueue_indirect_dma source(%dma_start3A_45 : memref<16384x128xi32, #tpu.memory_space<hbm>>) target(%arg9 : memref<64x128xi32, #tpu.memory_space<vmem>>) offsets(%dma_start3A_42 : memref<64xi32, #tpu.memory_space<vmem>>) semaphore(%arg12 : memref<!tpu.dma_semaphore, #tpu.memory_space<semaphore_mem>>)
      %mul3A_46 = arith.constant 64 : i32
      %mul3A_47 = arith.muli %add3A_14, %mul3A_46 : i32
      %dma_start3A_48 = arith.constant 1 : i32
      %dma_start3A_49 = tpu.memref_slice %arg5[%dma_start3A_48, %mul3A_47] : memref<3x2048xi32, #tpu.memory_space<vmem>> -> memref<1x64xi32, #tpu.memory_space<vmem>>
      %dma_start3A_50 = tpu.memref_squeeze %dma_start3A_49 : memref<1x64xi32, #tpu.memory_space<vmem>> -> memref<64xi32, #tpu.memory_space<vmem>>
      %dma_start3A_51 = arith.constant 0 : i32
      %dma_start3A_52 = arith.constant 0 : i32
      %dma_start3A_53 = tpu.memref_slice %arg2[%dma_start3A_51, %dma_start3A_52] : memref<16384x128xi32, #tpu.memory_space<hbm>> -> memref<16384x128xi32, #tpu.memory_space<hbm>>
      tpu.enqueue_indirect_dma source(%dma_start3A_53 : memref<16384x128xi32, #tpu.memory_space<hbm>>) target(%arg10 : memref<64x128xi32, #tpu.memory_space<vmem>>) offsets(%dma_start3A_50 : memref<64xi32, #tpu.memory_space<vmem>>) semaphore(%arg12 : memref<!tpu.dma_semaphore, #tpu.memory_space<semaphore_mem>>)
      %mul3A_54 = arith.constant 64 : i32
      %mul3A_55 = arith.muli %add3A_14, %mul3A_54 : i32
      %dma_start3A_56 = arith.constant 2 : i32
      %dma_start3A_57 = tpu.memref_slice %arg5[%dma_start3A_56, %mul3A_55] : memref<3x2048xi32, #tpu.memory_space<vmem>> -> memref<1x64xi32, #tpu.memory_space<vmem>>
      %dma_start3A_58 = tpu.memref_squeeze %dma_start3A_57 : memref<1x64xi32, #tpu.memory_space<vmem>> -> memref<64xi32, #tpu.memory_space<vmem>>
      %dma_start3A_59 = arith.constant 0 : i32
      %dma_start3A_60 = arith.constant 0 : i32
      %dma_start3A_61 = tpu.memref_slice %arg2[%dma_start3A_59, %dma_start3A_60] : memref<16384x128xi32, #tpu.memory_space<hbm>> -> memref<16384x128xi32, #tpu.memory_space<hbm>>
      tpu.enqueue_indirect_dma source(%dma_start3A_61 : memref<16384x128xi32, #tpu.memory_space<hbm>>) target(%arg11 : memref<64x128xi32, #tpu.memory_space<vmem>>) offsets(%dma_start3A_58 : memref<64xi32, #tpu.memory_space<vmem>>) semaphore(%arg12 : memref<!tpu.dma_semaphore, #tpu.memory_space<semaphore_mem>>)
      %dma_wait3A = arith.constant 0 : i32
      %dma_wait3A_62 = tpu.memref_slice %arg5[%dma_wait3A, %mul3A_16] : memref<3x2048xi32, #tpu.memory_space<vmem>> -> memref<1x64xi32, #tpu.memory_space<vmem>>
      %dma_wait3A_63 = tpu.memref_squeeze %dma_wait3A_62 : memref<1x64xi32, #tpu.memory_space<vmem>> -> memref<64xi32, #tpu.memory_space<vmem>>
      %dma_wait3A_64 = arith.constant 0 : i32
      %dma_wait3A_65 = arith.constant 0 : i32
      %dma_wait3A_66 = tpu.memref_slice %arg2[%dma_wait3A_64, %dma_wait3A_65] : memref<16384x128xi32, #tpu.memory_space<hbm>> -> memref<16384x128xi32, #tpu.memory_space<hbm>>
      tpu.wait_indirect_dma semaphore(%arg12 : memref<!tpu.dma_semaphore, #tpu.memory_space<semaphore_mem>>) src(%dma_wait3A_66 : memref<16384x128xi32, #tpu.memory_space<hbm>>) dst(%arg6 : memref<64x128xi32, #tpu.memory_space<vmem>>)
      %dma_wait3A_67 = arith.constant 1 : i32
      %dma_wait3A_68 = tpu.memref_slice %arg5[%dma_wait3A_67, %mul3A_23] : memref<3x2048xi32, #tpu.memory_space<vmem>> -> memref<1x64xi32, #tpu.memory_space<vmem>>
      %dma_wait3A_69 = tpu.memref_squeeze %dma_wait3A_68 : memref<1x64xi32, #tpu.memory_space<vmem>> -> memref<64xi32, #tpu.memory_space<vmem>>
      %dma_wait3A_70 = arith.constant 0 : i32
      %dma_wait3A_71 = arith.constant 0 : i32
      %dma_wait3A_72 = tpu.memref_slice %arg2[%dma_wait3A_70, %dma_wait3A_71] : memref<16384x128xi32, #tpu.memory_space<hbm>> -> memref<16384x128xi32, #tpu.memory_space<hbm>>
      tpu.wait_indirect_dma semaphore(%arg12 : memref<!tpu.dma_semaphore, #tpu.memory_space<semaphore_mem>>) src(%dma_wait3A_72 : memref<16384x128xi32, #tpu.memory_space<hbm>>) dst(%arg7 : memref<64x128xi32, #tpu.memory_space<vmem>>)
      %dma_wait3A_73 = arith.constant 2 : i32
      %dma_wait3A_74 = tpu.memref_slice %arg5[%dma_wait3A_73, %mul3A_31] : memref<3x2048xi32, #tpu.memory_space<vmem>> -> memref<1x64xi32, #tpu.memory_space<vmem>>
      %dma_wait3A_75 = tpu.memref_squeeze %dma_wait3A_74 : memref<1x64xi32, #tpu.memory_space<vmem>> -> memref<64xi32, #tpu.memory_space<vmem>>
      %dma_wait3A_76 = arith.constant 0 : i32
      %dma_wait3A_77 = arith.constant 0 : i32
      %dma_wait3A_78 = tpu.memref_slice %arg2[%dma_wait3A_76, %dma_wait3A_77] : memref<16384x128xi32, #tpu.memory_space<hbm>> -> memref<16384x128xi32, #tpu.memory_space<hbm>>
      tpu.wait_indirect_dma semaphore(%arg12 : memref<!tpu.dma_semaphore, #tpu.memory_space<semaphore_mem>>) src(%dma_wait3A_78 : memref<16384x128xi32, #tpu.memory_space<hbm>>) dst(%arg8 : memref<64x128xi32, #tpu.memory_space<vmem>>)
      %mul3A_79 = arith.constant 64 : i32
      %mul3A_80 = arith.muli %mul3A_10, %mul3A_79 : i32
      %add3A_81 = arith.addi %mul3A_2, %mul3A_80 : i32
      %dma_start3A_82 = arith.constant 0 : i32
      %dma_start3A_83 = arith.constant 0 : i32
      %dma_start3A_84 = tpu.memref_slice %arg4[%dma_start3A_82, %add3A_81, %dma_start3A_83] : memref<3x65536x128xi32, #tpu.memory_space<hbm>> -> memref<1x64x128xi32, #tpu.memory_space<hbm>>
      %dma_start3A_85 = tpu.memref_squeeze %dma_start3A_84 : memref<1x64x128xi32, #tpu.memory_space<hbm>> -> memref<64x128xi32, #tpu.memory_space<hbm>>
      %dma_start3A_86 = arith.constant 0 : i32
      %dma_start3A_87 = tpu.memref_slice %arg4[%dma_start3A_82, %add3A_81, %dma_start3A_86] : memref<3x65536x128xi32, #tpu.memory_space<hbm>> -> memref<1x64x128xi32, #tpu.memory_space<hbm>>
      %dma_start3A_88 = tpu.memref_squeeze %dma_start3A_87 : memref<1x64x128xi32, #tpu.memory_space<hbm>> -> memref<64x128xi32, #tpu.memory_space<hbm>>
      tpu.enqueue_dma source(%arg6 : memref<64x128xi32, #tpu.memory_space<vmem>>) target(%dma_start3A_88 : memref<64x128xi32, #tpu.memory_space<hbm>>) target_semaphore(%arg13 : memref<!tpu.dma_semaphore, #tpu.memory_space<semaphore_mem>>)
      %mul3A_89 = arith.constant 64 : i32
      %mul3A_90 = arith.muli %mul3A_10, %mul3A_89 : i32
      %add3A_91 = arith.addi %mul3A_2, %mul3A_90 : i32
      %dma_start3A_92 = arith.constant 1 : i32
      %dma_start3A_93 = arith.constant 0 : i32
      %dma_start3A_94 = tpu.memref_slice %arg4[%dma_start3A_92, %add3A_91, %dma_start3A_93] : memref<3x65536x128xi32, #tpu.memory_space<hbm>> -> memref<1x64x128xi32, #tpu.memory_space<hbm>>
      %dma_start3A_95 = tpu.memref_squeeze %dma_start3A_94 : memref<1x64x128xi32, #tpu.memory_space<hbm>> -> memref<64x128xi32, #tpu.memory_space<hbm>>
      %dma_start3A_96 = arith.constant 0 : i32
      %dma_start3A_97 = tpu.memref_slice %arg4[%dma_start3A_92, %add3A_91, %dma_start3A_96] : memref<3x65536x128xi32, #tpu.memory_space<hbm>> -> memref<1x64x128xi32, #tpu.memory_space<hbm>>
      %dma_start3A_98 = tpu.memref_squeeze %dma_start3A_97 : memref<1x64x128xi32, #tpu.memory_space<hbm>> -> memref<64x128xi32, #tpu.memory_space<hbm>>
      tpu.enqueue_dma source(%arg7 : memref<64x128xi32, #tpu.memory_space<vmem>>) target(%dma_start3A_98 : memref<64x128xi32, #tpu.memory_space<hbm>>) target_semaphore(%arg13 : memref<!tpu.dma_semaphore, #tpu.memory_space<semaphore_mem>>)
      %mul3A_99 = arith.constant 64 : i32
      %mul3A_100 = arith.muli %mul3A_10, %mul3A_99 : i32
      %add3A_101 = arith.addi %mul3A_2, %mul3A_100 : i32
      %dma_start3A_102 = arith.constant 2 : i32
      %dma_start3A_103 = arith.constant 0 : i32
      %dma_start3A_104 = tpu.memref_slice %arg4[%dma_start3A_102, %add3A_101, %dma_start3A_103] : memref<3x65536x128xi32, #tpu.memory_space<hbm>> -> memref<1x64x128xi32, #tpu.memory_space<hbm>>
      %dma_start3A_105 = tpu.memref_squeeze %dma_start3A_104 : memref<1x64x128xi32, #tpu.memory_space<hbm>> -> memref<64x128xi32, #tpu.memory_space<hbm>>
      %dma_start3A_106 = arith.constant 0 : i32
      %dma_start3A_107 = tpu.memref_slice %arg4[%dma_start3A_102, %add3A_101, %dma_start3A_106] : memref<3x65536x128xi32, #tpu.memory_space<hbm>> -> memref<1x64x128xi32, #tpu.memory_space<hbm>>
      %dma_start3A_108 = tpu.memref_squeeze %dma_start3A_107 : memref<1x64x128xi32, #tpu.memory_space<hbm>> -> memref<64x128xi32, #tpu.memory_space<hbm>>
      tpu.enqueue_dma source(%arg8 : memref<64x128xi32, #tpu.memory_space<vmem>>) target(%dma_start3A_108 : memref<64x128xi32, #tpu.memory_space<hbm>>) target_semaphore(%arg13 : memref<!tpu.dma_semaphore, #tpu.memory_space<semaphore_mem>>)
      %dma_wait3A_109 = arith.constant 0 : i32
      %dma_wait3A_110 = tpu.memref_slice %arg5[%dma_wait3A_109, %mul3A_39] : memref<3x2048xi32, #tpu.memory_space<vmem>> -> memref<1x64xi32, #tpu.memory_space<vmem>>
      %dma_wait3A_111 = tpu.memref_squeeze %dma_wait3A_110 : memref<1x64xi32, #tpu.memory_space<vmem>> -> memref<64xi32, #tpu.memory_space<vmem>>
      %dma_wait3A_112 = arith.constant 0 : i32
      %dma_wait3A_113 = arith.constant 0 : i32
      %dma_wait3A_114 = tpu.memref_slice %arg2[%dma_wait3A_112, %dma_wait3A_113] : memref<16384x128xi32, #tpu.memory_space<hbm>> -> memref<16384x128xi32, #tpu.memory_space<hbm>>
      tpu.wait_indirect_dma semaphore(%arg12 : memref<!tpu.dma_semaphore, #tpu.memory_space<semaphore_mem>>) src(%dma_wait3A_114 : memref<16384x128xi32, #tpu.memory_space<hbm>>) dst(%arg9 : memref<64x128xi32, #tpu.memory_space<vmem>>)
      %dma_wait3A_115 = arith.constant 1 : i32
      %dma_wait3A_116 = tpu.memref_slice %arg5[%dma_wait3A_115, %mul3A_47] : memref<3x2048xi32, #tpu.memory_space<vmem>> -> memref<1x64xi32, #tpu.memory_space<vmem>>
      %dma_wait3A_117 = tpu.memref_squeeze %dma_wait3A_116 : memref<1x64xi32, #tpu.memory_space<vmem>> -> memref<64xi32, #tpu.memory_space<vmem>>
      %dma_wait3A_118 = arith.constant 0 : i32
      %dma_wait3A_119 = arith.constant 0 : i32
      %dma_wait3A_120 = tpu.memref_slice %arg2[%dma_wait3A_118, %dma_wait3A_119] : memref<16384x128xi32, #tpu.memory_space<hbm>> -> memref<16384x128xi32, #tpu.memory_space<hbm>>
      tpu.wait_indirect_dma semaphore(%arg12 : memref<!tpu.dma_semaphore, #tpu.memory_space<semaphore_mem>>) src(%dma_wait3A_120 : memref<16384x128xi32, #tpu.memory_space<hbm>>) dst(%arg10 : memref<64x128xi32, #tpu.memory_space<vmem>>)
      %dma_wait3A_121 = arith.constant 2 : i32
      %dma_wait3A_122 = tpu.memref_slice %arg5[%dma_wait3A_121, %mul3A_55] : memref<3x2048xi32, #tpu.memory_space<vmem>> -> memref<1x64xi32, #tpu.memory_space<vmem>>
      %dma_wait3A_123 = tpu.memref_squeeze %dma_wait3A_122 : memref<1x64xi32, #tpu.memory_space<vmem>> -> memref<64xi32, #tpu.memory_space<vmem>>
      %dma_wait3A_124 = arith.constant 0 : i32
      %dma_wait3A_125 = arith.constant 0 : i32
      %dma_wait3A_126 = tpu.memref_slice %arg2[%dma_wait3A_124, %dma_wait3A_125] : memref<16384x128xi32, #tpu.memory_space<hbm>> -> memref<16384x128xi32, #tpu.memory_space<hbm>>
      tpu.wait_indirect_dma semaphore(%arg12 : memref<!tpu.dma_semaphore, #tpu.memory_space<semaphore_mem>>) src(%dma_wait3A_126 : memref<16384x128xi32, #tpu.memory_space<hbm>>) dst(%arg11 : memref<64x128xi32, #tpu.memory_space<vmem>>)
      %mul3A_127 = arith.constant 64 : i32
      %mul3A_128 = arith.muli %add3A_14, %mul3A_127 : i32
      %add3A_129 = arith.addi %mul3A_2, %mul3A_128 : i32
      %dma_start3A_130 = arith.constant 0 : i32
      %dma_start3A_131 = arith.constant 0 : i32
      %dma_start3A_132 = tpu.memref_slice %arg4[%dma_start3A_130, %add3A_129, %dma_start3A_131] : memref<3x65536x128xi32, #tpu.memory_space<hbm>> -> memref<1x64x128xi32, #tpu.memory_space<hbm>>
      %dma_start3A_133 = tpu.memref_squeeze %dma_start3A_132 : memref<1x64x128xi32, #tpu.memory_space<hbm>> -> memref<64x128xi32, #tpu.memory_space<hbm>>
      %dma_start3A_134 = arith.constant 0 : i32
      %dma_start3A_135 = tpu.memref_slice %arg4[%dma_start3A_130, %add3A_129, %dma_start3A_134] : memref<3x65536x128xi32, #tpu.memory_space<hbm>> -> memref<1x64x128xi32, #tpu.memory_space<hbm>>
      %dma_start3A_136 = tpu.memref_squeeze %dma_start3A_135 : memref<1x64x128xi32, #tpu.memory_space<hbm>> -> memref<64x128xi32, #tpu.memory_space<hbm>>
      tpu.enqueue_dma source(%arg9 : memref<64x128xi32, #tpu.memory_space<vmem>>) target(%dma_start3A_136 : memref<64x128xi32, #tpu.memory_space<hbm>>) target_semaphore(%arg13 : memref<!tpu.dma_semaphore, #tpu.memory_space<semaphore_mem>>)
      %mul3A_137 = arith.constant 64 : i32
      %mul3A_138 = arith.muli %add3A_14, %mul3A_137 : i32
      %add3A_139 = arith.addi %mul3A_2, %mul3A_138 : i32
      %dma_start3A_140 = arith.constant 1 : i32
      %dma_start3A_141 = arith.constant 0 : i32
      %dma_start3A_142 = tpu.memref_slice %arg4[%dma_start3A_140, %add3A_139, %dma_start3A_141] : memref<3x65536x128xi32, #tpu.memory_space<hbm>> -> memref<1x64x128xi32, #tpu.memory_space<hbm>>
      %dma_start3A_143 = tpu.memref_squeeze %dma_start3A_142 : memref<1x64x128xi32, #tpu.memory_space<hbm>> -> memref<64x128xi32, #tpu.memory_space<hbm>>
      %dma_start3A_144 = arith.constant 0 : i32
      %dma_start3A_145 = tpu.memref_slice %arg4[%dma_start3A_140, %add3A_139, %dma_start3A_144] : memref<3x65536x128xi32, #tpu.memory_space<hbm>> -> memref<1x64x128xi32, #tpu.memory_space<hbm>>
      %dma_start3A_146 = tpu.memref_squeeze %dma_start3A_145 : memref<1x64x128xi32, #tpu.memory_space<hbm>> -> memref<64x128xi32, #tpu.memory_space<hbm>>
      tpu.enqueue_dma source(%arg10 : memref<64x128xi32, #tpu.memory_space<vmem>>) target(%dma_start3A_146 : memref<64x128xi32, #tpu.memory_space<hbm>>) target_semaphore(%arg13 : memref<!tpu.dma_semaphore, #tpu.memory_space<semaphore_mem>>)
      %mul3A_147 = arith.constant 64 : i32
      %mul3A_148 = arith.muli %add3A_14, %mul3A_147 : i32
      %add3A_149 = arith.addi %mul3A_2, %mul3A_148 : i32
      %dma_start3A_150 = arith.constant 2 : i32
      %dma_start3A_151 = arith.constant 0 : i32
      %dma_start3A_152 = tpu.memref_slice %arg4[%dma_start3A_150, %add3A_149, %dma_start3A_151] : memref<3x65536x128xi32, #tpu.memory_space<hbm>> -> memref<1x64x128xi32, #tpu.memory_space<hbm>>
      %dma_start3A_153 = tpu.memref_squeeze %dma_start3A_152 : memref<1x64x128xi32, #tpu.memory_space<hbm>> -> memref<64x128xi32, #tpu.memory_space<hbm>>
      %dma_start3A_154 = arith.constant 0 : i32
      %dma_start3A_155 = tpu.memref_slice %arg4[%dma_start3A_150, %add3A_149, %dma_start3A_154] : memref<3x65536x128xi32, #tpu.memory_space<hbm>> -> memref<1x64x128xi32, #tpu.memory_space<hbm>>
      %dma_start3A_156 = tpu.memref_squeeze %dma_start3A_155 : memref<1x64x128xi32, #tpu.memory_space<hbm>> -> memref<64x128xi32, #tpu.memory_space<hbm>>
      tpu.enqueue_dma source(%arg11 : memref<64x128xi32, #tpu.memory_space<vmem>>) target(%dma_start3A_156 : memref<64x128xi32, #tpu.memory_space<hbm>>) target_semaphore(%arg13 : memref<!tpu.dma_semaphore, #tpu.memory_space<semaphore_mem>>)
      %dma_wait3A_157 = arith.constant 0 : i32
      %dma_wait3A_158 = arith.constant 0 : i32
      %dma_wait3A_159 = tpu.memref_slice %arg4[%dma_wait3A_157, %add3A_81, %dma_wait3A_158] : memref<3x65536x128xi32, #tpu.memory_space<hbm>> -> memref<1x64x128xi32, #tpu.memory_space<hbm>>
      %dma_wait3A_160 = tpu.memref_squeeze %dma_wait3A_159 : memref<1x64x128xi32, #tpu.memory_space<hbm>> -> memref<64x128xi32, #tpu.memory_space<hbm>>
      %dma_wait3A_161 = arith.constant 0 : i32
      %dma_wait3A_162 = tpu.memref_slice %arg4[%dma_wait3A_157, %add3A_81, %dma_wait3A_161] : memref<3x65536x128xi32, #tpu.memory_space<hbm>> -> memref<1x64x128xi32, #tpu.memory_space<hbm>>
      %dma_wait3A_163 = tpu.memref_squeeze %dma_wait3A_162 : memref<1x64x128xi32, #tpu.memory_space<hbm>> -> memref<64x128xi32, #tpu.memory_space<hbm>>
      tpu.wait_dma2 semaphore(%arg13 : memref<!tpu.dma_semaphore, #tpu.memory_space<semaphore_mem>>) src(%arg6 : memref<64x128xi32, #tpu.memory_space<vmem>>) dst(%dma_wait3A_163 : memref<64x128xi32, #tpu.memory_space<hbm>>)
      %dma_wait3A_164 = arith.constant 1 : i32
      %dma_wait3A_165 = arith.constant 0 : i32
      %dma_wait3A_166 = tpu.memref_slice %arg4[%dma_wait3A_164, %add3A_91, %dma_wait3A_165] : memref<3x65536x128xi32, #tpu.memory_space<hbm>> -> memref<1x64x128xi32, #tpu.memory_space<hbm>>
      %dma_wait3A_167 = tpu.memref_squeeze %dma_wait3A_166 : memref<1x64x128xi32, #tpu.memory_space<hbm>> -> memref<64x128xi32, #tpu.memory_space<hbm>>
      %dma_wait3A_168 = arith.constant 0 : i32
      %dma_wait3A_169 = tpu.memref_slice %arg4[%dma_wait3A_164, %add3A_91, %dma_wait3A_168] : memref<3x65536x128xi32, #tpu.memory_space<hbm>> -> memref<1x64x128xi32, #tpu.memory_space<hbm>>
      %dma_wait3A_170 = tpu.memref_squeeze %dma_wait3A_169 : memref<1x64x128xi32, #tpu.memory_space<hbm>> -> memref<64x128xi32, #tpu.memory_space<hbm>>
      tpu.wait_dma2 semaphore(%arg13 : memref<!tpu.dma_semaphore, #tpu.memory_space<semaphore_mem>>) src(%arg7 : memref<64x128xi32, #tpu.memory_space<vmem>>) dst(%dma_wait3A_170 : memref<64x128xi32, #tpu.memory_space<hbm>>)
      %dma_wait3A_171 = arith.constant 2 : i32
      %dma_wait3A_172 = arith.constant 0 : i32
      %dma_wait3A_173 = tpu.memref_slice %arg4[%dma_wait3A_171, %add3A_101, %dma_wait3A_172] : memref<3x65536x128xi32, #tpu.memory_space<hbm>> -> memref<1x64x128xi32, #tpu.memory_space<hbm>>
      %dma_wait3A_174 = tpu.memref_squeeze %dma_wait3A_173 : memref<1x64x128xi32, #tpu.memory_space<hbm>> -> memref<64x128xi32, #tpu.memory_space<hbm>>
      %dma_wait3A_175 = arith.constant 0 : i32
      %dma_wait3A_176 = tpu.memref_slice %arg4[%dma_wait3A_171, %add3A_101, %dma_wait3A_175] : memref<3x65536x128xi32, #tpu.memory_space<hbm>> -> memref<1x64x128xi32, #tpu.memory_space<hbm>>
      %dma_wait3A_177 = tpu.memref_squeeze %dma_wait3A_176 : memref<1x64x128xi32, #tpu.memory_space<hbm>> -> memref<64x128xi32, #tpu.memory_space<hbm>>
      tpu.wait_dma2 semaphore(%arg13 : memref<!tpu.dma_semaphore, #tpu.memory_space<semaphore_mem>>) src(%arg8 : memref<64x128xi32, #tpu.memory_space<vmem>>) dst(%dma_wait3A_177 : memref<64x128xi32, #tpu.memory_space<hbm>>)
      %dma_wait3A_178 = arith.constant 0 : i32
      %dma_wait3A_179 = arith.constant 0 : i32
      %dma_wait3A_180 = tpu.memref_slice %arg4[%dma_wait3A_178, %add3A_129, %dma_wait3A_179] : memref<3x65536x128xi32, #tpu.memory_space<hbm>> -> memref<1x64x128xi32, #tpu.memory_space<hbm>>
      %dma_wait3A_181 = tpu.memref_squeeze %dma_wait3A_180 : memref<1x64x128xi32, #tpu.memory_space<hbm>> -> memref<64x128xi32, #tpu.memory_space<hbm>>
      %dma_wait3A_182 = arith.constant 0 : i32
      %dma_wait3A_183 = tpu.memref_slice %arg4[%dma_wait3A_178, %add3A_129, %dma_wait3A_182] : memref<3x65536x128xi32, #tpu.memory_space<hbm>> -> memref<1x64x128xi32, #tpu.memory_space<hbm>>
      %dma_wait3A_184 = tpu.memref_squeeze %dma_wait3A_183 : memref<1x64x128xi32, #tpu.memory_space<hbm>> -> memref<64x128xi32, #tpu.memory_space<hbm>>
      tpu.wait_dma2 semaphore(%arg13 : memref<!tpu.dma_semaphore, #tpu.memory_space<semaphore_mem>>) src(%arg9 : memref<64x128xi32, #tpu.memory_space<vmem>>) dst(%dma_wait3A_184 : memref<64x128xi32, #tpu.memory_space<hbm>>)
      %dma_wait3A_185 = arith.constant 1 : i32
      %dma_wait3A_186 = arith.constant 0 : i32
      %dma_wait3A_187 = tpu.memref_slice %arg4[%dma_wait3A_185, %add3A_139, %dma_wait3A_186] : memref<3x65536x128xi32, #tpu.memory_space<hbm>> -> memref<1x64x128xi32, #tpu.memory_space<hbm>>
      %dma_wait3A_188 = tpu.memref_squeeze %dma_wait3A_187 : memref<1x64x128xi32, #tpu.memory_space<hbm>> -> memref<64x128xi32, #tpu.memory_space<hbm>>
      %dma_wait3A_189 = arith.constant 0 : i32
      %dma_wait3A_190 = tpu.memref_slice %arg4[%dma_wait3A_185, %add3A_139, %dma_wait3A_189] : memref<3x65536x128xi32, #tpu.memory_space<hbm>> -> memref<1x64x128xi32, #tpu.memory_space<hbm>>
      %dma_wait3A_191 = tpu.memref_squeeze %dma_wait3A_190 : memref<1x64x128xi32, #tpu.memory_space<hbm>> -> memref<64x128xi32, #tpu.memory_space<hbm>>
      tpu.wait_dma2 semaphore(%arg13 : memref<!tpu.dma_semaphore, #tpu.memory_space<semaphore_mem>>) src(%arg10 : memref<64x128xi32, #tpu.memory_space<vmem>>) dst(%dma_wait3A_191 : memref<64x128xi32, #tpu.memory_space<hbm>>)
      %dma_wait3A_192 = arith.constant 2 : i32
      %dma_wait3A_193 = arith.constant 0 : i32
      %dma_wait3A_194 = tpu.memref_slice %arg4[%dma_wait3A_192, %add3A_149, %dma_wait3A_193] : memref<3x65536x128xi32, #tpu.memory_space<hbm>> -> memref<1x64x128xi32, #tpu.memory_space<hbm>>
      %dma_wait3A_195 = tpu.memref_squeeze %dma_wait3A_194 : memref<1x64x128xi32, #tpu.memory_space<hbm>> -> memref<64x128xi32, #tpu.memory_space<hbm>>
      %dma_wait3A_196 = arith.constant 0 : i32
      %dma_wait3A_197 = tpu.memref_slice %arg4[%dma_wait3A_192, %add3A_149, %dma_wait3A_196] : memref<3x65536x128xi32, #tpu.memory_space<hbm>> -> memref<1x64x128xi32, #tpu.memory_space<hbm>>
      %dma_wait3A_198 = tpu.memref_squeeze %dma_wait3A_197 : memref<1x64x128xi32, #tpu.memory_space<hbm>> -> memref<64x128xi32, #tpu.memory_space<hbm>>
      tpu.wait_dma2 semaphore(%arg13 : memref<!tpu.dma_semaphore, #tpu.memory_space<semaphore_mem>>) src(%arg11 : memref<64x128xi32, #tpu.memory_space<vmem>>) dst(%dma_wait3A_198 : memref<64x128xi32, #tpu.memory_space<hbm>>)
    }
    %scan3A_7 = arith.constant 16 : i32
    return
  }
}

module attributes {stable_mosaic.version = 14 : i64} {
  func.func @_knn_body(%arg0: i32, %arg1: i32, %arg2: memref<1x8x1024xf32, #tpu.memory_space<vmem>>, %arg3: memref<1x8x1024xf32, #tpu.memory_space<vmem>>, %arg4: memref<1x3x1024xi32, #tpu.memory_space<vmem>>, %arg5: memref<1x3x1024xf32, #tpu.memory_space<vmem>>) attributes {dimension_semantics = [#tpu.dimension_semantics<arbitrary>, #tpu.dimension_semantics<arbitrary>], iteration_bounds = array<i64: 16, 4>, scalar_prefetch = 0 : i64, scratch_operands = 0 : i64, tpu.core_type = #tpu.core_type<tc>, window_params = [{transform_indices = @transform_0, window_bounds = array<i64: 1, 8, 1024>}, {transform_indices = @transform_1, window_bounds = array<i64: 1, 8, 1024>}, {transform_indices = @transform_2, window_bounds = array<i64: 1, 3, 1024>}, {transform_indices = @transform_3, window_bounds = array<i64: 1, 3, 1024>}]} {
    %get3A = arith.constant 0 : index
    %get3A_0 = arith.constant 0 : index
    %get3A_1 = arith.constant 0 : index
    %get3A_2 = vector.load %arg2[%get3A, %get3A_0, %get3A_1] : memref<1x8x1024xf32, #tpu.memory_space<vmem>>, vector<1x8x1024xf32>
    %get3A_3 = vector.shape_cast %get3A_2 : vector<1x8x1024xf32> to vector<8x1024xf32>
    %get3A_4 = arith.constant 0 : index
    %get3A_5 = arith.constant 0 : index
    %get3A_6 = arith.constant 0 : index
    %get3A_7 = vector.load %arg3[%get3A_4, %get3A_5, %get3A_6] : memref<1x8x1024xf32, #tpu.memory_space<vmem>>, vector<1x8x1024xf32>
    %get3A_8 = vector.shape_cast %get3A_7 : vector<1x8x1024xf32> to vector<8x1024xf32>
    %mul3A = arith.mulf %get3A_3, %get3A_3 : vector<8x1024xf32>
    %reduce_sum3A = arith.constant dense<0.000000e+00> : vector<1024xf32>
    %reduce_sum3A_9 = vector.multi_reduction <add>, %mul3A, %reduce_sum3A [0] : vector<8x1024xf32> to vector<1024xf32>
    %mul3A_10 = arith.mulf %get3A_8, %get3A_8 : vector<8x1024xf32>
    %reduce_sum3A_11 = arith.constant dense<0.000000e+00> : vector<1024xf32>
    %reduce_sum3A_12 = vector.multi_reduction <add>, %mul3A_10, %reduce_sum3A_11 [0] : vector<8x1024xf32> to vector<1024xf32>
    %dot_general3A = arith.constant dense<0.000000e+00> : vector<1024x1024xf32>
    %dot_general3A_13 = tpu.matmul %get3A_3, %get3A_8, %dot_general3A {dimension_numbers = #tpu.dot_dimension_numbers<[0], [0], [1], [1], [0, 1, 1, 1], [], []>, transpose_lhs_hint = false} : vector<8x1024xf32>, vector<8x1024xf32>, vector<1024x1024xf32> -> vector<1024x1024xf32>
    %broadcast_in_dim3A = vector.shape_cast %reduce_sum3A_9 : vector<1024xf32> to vector<1024x1xf32>
    %broadcast_in_dim3A_14 = vector.shape_cast %reduce_sum3A_12 : vector<1024xf32> to vector<1x1024xf32>
    %add3A = vector.broadcast %broadcast_in_dim3A : vector<1024x1xf32> to vector<1024x1024xf32>
    %add3A_15 = vector.broadcast %broadcast_in_dim3A_14 : vector<1x1024xf32> to vector<1024x1024xf32>
    %add3A_16 = arith.addf %add3A, %add3A_15 : vector<1024x1024xf32>
    %mul3A_17 = arith.constant 2.000000e+00 : f32
    %mul3A_18 = vector.broadcast %mul3A_17 : f32 to vector<1024x1024xf32>
    %mul3A_19 = arith.mulf %mul3A_18, %dot_general3A_13 : vector<1024x1024xf32>
    %sub3A = arith.subf %add3A_16, %mul3A_19 : vector<1024x1024xf32>
    %iota3A = tpu.iota {dimensions = array<i32: 1>} : vector<1024x1024xi32>
    %convert_element_type3A = arith.sitofp %iota3A : vector<1024x1024xi32> to vector<1024x1024xf32>
    %reduce_min3A = arith.constant dense<0x7F800000> : vector<1024xf32>
    %reduce_min3A_20 = vector.multi_reduction <minimumf>, %sub3A, %reduce_min3A [1] : vector<1024x1024xf32> to vector<1024xf32>
    %broadcast_in_dim3A_21 = vector.shape_cast %reduce_min3A_20 : vector<1024xf32> to vector<1024x1xf32>
    %le3A = vector.broadcast %broadcast_in_dim3A_21 : vector<1024x1xf32> to vector<1024x1024xf32>
    %le3A_22 = arith.cmpf ole, %sub3A, %le3A : vector<1024x1024xf32>
    %jit3A = arith.constant 1.024000e+03 : f32
    %broadcast_in_dim3A_23 = vector.broadcast %jit3A : f32 to vector<1024x1024xf32>
    %select_n3A = arith.select %le3A_22, %convert_element_type3A, %broadcast_in_dim3A_23 : vector<1024x1024xi1>, vector<1024x1024xf32>
    %reduce_min3A_24 = arith.constant dense<0x7F800000> : vector<1024xf32>
    %reduce_min3A_25 = vector.multi_reduction <minimumf>, %select_n3A, %reduce_min3A_24 [1] : vector<1024x1024xf32> to vector<1024xf32>
    %broadcast_in_dim3A_26 = vector.shape_cast %reduce_min3A_25 : vector<1024xf32> to vector<1024x1xf32>
    %eq3A = vector.broadcast %broadcast_in_dim3A_26 : vector<1024x1xf32> to vector<1024x1024xf32>
    %eq3A_27 = arith.cmpf oeq, %convert_element_type3A, %eq3A : vector<1024x1024xf32>
    %jit3A_28 = arith.constant 0x7F800000 : f32
    %broadcast_in_dim3A_29 = vector.broadcast %jit3A_28 : f32 to vector<1024x1024xf32>
    %select_n3A_30 = arith.select %eq3A_27, %broadcast_in_dim3A_29, %sub3A : vector<1024x1024xi1>, vector<1024x1024xf32>
    %convert_element_type3A_31 = arith.fptosi %reduce_min3A_25 : vector<1024xf32> to vector<1024xi32>
    %max3A = arith.constant 9.99999996E-13 : f32
    %max3A_32 = vector.broadcast %max3A : f32 to vector<1024xf32>
    %max3A_33 = arith.maximumf %reduce_min3A_20, %max3A_32 : vector<1024xf32>
    %sqrt3A = math.sqrt %max3A_33 : vector<1024xf32>
    %reduce_min3A_34 = arith.constant dense<0x7F800000> : vector<1024xf32>
    %reduce_min3A_35 = vector.multi_reduction <minimumf>, %select_n3A_30, %reduce_min3A_34 [1] : vector<1024x1024xf32> to vector<1024xf32>
    %broadcast_in_dim3A_36 = vector.shape_cast %reduce_min3A_35 : vector<1024xf32> to vector<1024x1xf32>
    %le3A_37 = vector.broadcast %broadcast_in_dim3A_36 : vector<1024x1xf32> to vector<1024x1024xf32>
    %le3A_38 = arith.cmpf ole, %select_n3A_30, %le3A_37 : vector<1024x1024xf32>
    %jit3A_39 = arith.constant 1.024000e+03 : f32
    %broadcast_in_dim3A_40 = vector.broadcast %jit3A_39 : f32 to vector<1024x1024xf32>
    %select_n3A_41 = arith.select %le3A_38, %convert_element_type3A, %broadcast_in_dim3A_40 : vector<1024x1024xi1>, vector<1024x1024xf32>
    %reduce_min3A_42 = arith.constant dense<0x7F800000> : vector<1024xf32>
    %reduce_min3A_43 = vector.multi_reduction <minimumf>, %select_n3A_41, %reduce_min3A_42 [1] : vector<1024x1024xf32> to vector<1024xf32>
    %broadcast_in_dim3A_44 = vector.shape_cast %reduce_min3A_43 : vector<1024xf32> to vector<1024x1xf32>
    %eq3A_45 = vector.broadcast %broadcast_in_dim3A_44 : vector<1024x1xf32> to vector<1024x1024xf32>
    %eq3A_46 = arith.cmpf oeq, %convert_element_type3A, %eq3A_45 : vector<1024x1024xf32>
    %jit3A_47 = arith.constant 0x7F800000 : f32
    %broadcast_in_dim3A_48 = vector.broadcast %jit3A_47 : f32 to vector<1024x1024xf32>
    %select_n3A_49 = arith.select %eq3A_46, %broadcast_in_dim3A_48, %select_n3A_30 : vector<1024x1024xi1>, vector<1024x1024xf32>
    %convert_element_type3A_50 = arith.fptosi %reduce_min3A_43 : vector<1024xf32> to vector<1024xi32>
    %max3A_51 = arith.constant 9.99999996E-13 : f32
    %max3A_52 = vector.broadcast %max3A_51 : f32 to vector<1024xf32>
    %max3A_53 = arith.maximumf %reduce_min3A_35, %max3A_52 : vector<1024xf32>
    %sqrt3A_54 = math.sqrt %max3A_53 : vector<1024xf32>
    %reduce_min3A_55 = arith.constant dense<0x7F800000> : vector<1024xf32>
    %reduce_min3A_56 = vector.multi_reduction <minimumf>, %select_n3A_49, %reduce_min3A_55 [1] : vector<1024x1024xf32> to vector<1024xf32>
    %broadcast_in_dim3A_57 = vector.shape_cast %reduce_min3A_56 : vector<1024xf32> to vector<1024x1xf32>
    %le3A_58 = vector.broadcast %broadcast_in_dim3A_57 : vector<1024x1xf32> to vector<1024x1024xf32>
    %le3A_59 = arith.cmpf ole, %select_n3A_49, %le3A_58 : vector<1024x1024xf32>
    %jit3A_60 = arith.constant 1.024000e+03 : f32
    %broadcast_in_dim3A_61 = vector.broadcast %jit3A_60 : f32 to vector<1024x1024xf32>
    %select_n3A_62 = arith.select %le3A_59, %convert_element_type3A, %broadcast_in_dim3A_61 : vector<1024x1024xi1>, vector<1024x1024xf32>
    %reduce_min3A_63 = arith.constant dense<0x7F800000> : vector<1024xf32>
    %reduce_min3A_64 = vector.multi_reduction <minimumf>, %select_n3A_62, %reduce_min3A_63 [1] : vector<1024x1024xf32> to vector<1024xf32>
    %convert_element_type3A_65 = arith.fptosi %reduce_min3A_64 : vector<1024xf32> to vector<1024xi32>
    %max3A_66 = arith.constant 9.99999996E-13 : f32
    %max3A_67 = vector.broadcast %max3A_66 : f32 to vector<1024xf32>
    %max3A_68 = arith.maximumf %reduce_min3A_56, %max3A_67 : vector<1024xf32>
    %sqrt3A_69 = math.sqrt %max3A_68 : vector<1024xf32>
    %add3A_70 = arith.constant 9.99999974E-6 : f32
    %add3A_71 = vector.broadcast %add3A_70 : f32 to vector<1024xf32>
    %add3A_72 = arith.addf %sqrt3A, %add3A_71 : vector<1024xf32>
    %div3A = arith.constant 1.000000e+00 : f32
    %div3A_73 = vector.broadcast %div3A : f32 to vector<1024xf32>
    %div3A_74 = arith.divf %div3A_73, %add3A_72 : vector<1024xf32>
    %add3A_75 = arith.constant 9.99999974E-6 : f32
    %add3A_76 = vector.broadcast %add3A_75 : f32 to vector<1024xf32>
    %add3A_77 = arith.addf %sqrt3A_54, %add3A_76 : vector<1024xf32>
    %div3A_78 = arith.constant 1.000000e+00 : f32
    %div3A_79 = vector.broadcast %div3A_78 : f32 to vector<1024xf32>
    %div3A_80 = arith.divf %div3A_79, %add3A_77 : vector<1024xf32>
    %add3A_81 = arith.constant 9.99999974E-6 : f32
    %add3A_82 = vector.broadcast %add3A_81 : f32 to vector<1024xf32>
    %add3A_83 = arith.addf %sqrt3A_69, %add3A_82 : vector<1024xf32>
    %div3A_84 = arith.constant 1.000000e+00 : f32
    %div3A_85 = vector.broadcast %div3A_84 : f32 to vector<1024xf32>
    %div3A_86 = arith.divf %div3A_85, %add3A_83 : vector<1024xf32>
    %stack3A = vector.shape_cast %div3A_74 : vector<1024xf32> to vector<1x1024xf32>
    %stack3A_87 = vector.shape_cast %div3A_80 : vector<1024xf32> to vector<1x1024xf32>
    %stack3A_88 = vector.shape_cast %div3A_86 : vector<1024xf32> to vector<1x1024xf32>
    %stack3A_89 = tpu.concatenate %stack3A, %stack3A_87, %stack3A_88 in 0 : vector<1x1024xf32>, vector<1x1024xf32>, vector<1x1024xf32> -> vector<3x1024xf32>
    %reduce_sum3A_90 = arith.constant dense<0.000000e+00> : vector<1024xf32>
    %reduce_sum3A_91 = vector.multi_reduction <add>, %stack3A_89, %reduce_sum3A_90 [0] : vector<3x1024xf32> to vector<1024xf32>
    %broadcast_in_dim3A_92 = vector.shape_cast %reduce_sum3A_91 : vector<1024xf32> to vector<1x1024xf32>
    %div3A_93 = vector.broadcast %broadcast_in_dim3A_92 : vector<1x1024xf32> to vector<3x1024xf32>
    %div3A_94 = arith.divf %stack3A_89, %div3A_93 : vector<3x1024xf32>
    %stack3A_95 = vector.shape_cast %convert_element_type3A_31 : vector<1024xi32> to vector<1x1024xi32>
    %stack3A_96 = vector.shape_cast %convert_element_type3A_50 : vector<1024xi32> to vector<1x1024xi32>
    %stack3A_97 = vector.shape_cast %convert_element_type3A_65 : vector<1024xi32> to vector<1x1024xi32>
    %stack3A_98 = tpu.concatenate %stack3A_95, %stack3A_96, %stack3A_97 in 0 : vector<1x1024xi32>, vector<1x1024xi32>, vector<1x1024xi32> -> vector<3x1024xi32>
    %mul3A_99 = arith.constant 1024 : i32
    %mul3A_100 = arith.muli %arg0, %mul3A_99 : i32
    %add3A_101 = vector.broadcast %mul3A_100 : i32 to vector<3x1024xi32>
    %add3A_102 = arith.addi %stack3A_98, %add3A_101 : vector<3x1024xi32>
    %swap3A = arith.constant 0 : index
    %swap3A_103 = arith.constant 0 : index
    %swap3A_104 = arith.constant 0 : index
    %swap3A_105 = vector.load %arg4[%swap3A, %swap3A_103, %swap3A_104] : memref<1x3x1024xi32, #tpu.memory_space<vmem>>, vector<1x3x1024xi32>
    %swap3A_106 = vector.shape_cast %swap3A_105 : vector<1x3x1024xi32> to vector<3x1024xi32>
    %swap3A_107 = vector.shape_cast %add3A_102 : vector<3x1024xi32> to vector<1x3x1024xi32>
    tpu.vector_store %arg4[%swap3A, %swap3A_103, %swap3A_104], %swap3A_107 {strides = array<i32>} : memref<1x3x1024xi32, #tpu.memory_space<vmem>>, vector<1x3x1024xi32>,
    %swap3A_108 = arith.constant 0 : index
    %swap3A_109 = arith.constant 0 : index
    %swap3A_110 = arith.constant 0 : index
    %swap3A_111 = vector.load %arg5[%swap3A_108, %swap3A_109, %swap3A_110] : memref<1x3x1024xf32, #tpu.memory_space<vmem>>, vector<1x3x1024xf32>
    %swap3A_112 = vector.shape_cast %swap3A_111 : vector<1x3x1024xf32> to vector<3x1024xf32>
    %swap3A_113 = vector.shape_cast %div3A_94 : vector<3x1024xf32> to vector<1x3x1024xf32>
    tpu.vector_store %arg5[%swap3A_108, %swap3A_109, %swap3A_110], %swap3A_113 {strides = array<i32>} : memref<1x3x1024xf32, #tpu.memory_space<vmem>>, vector<1x3x1024xf32>,
    return
  }
  func.func @transform_0(%arg0: i32, %arg1: i32) -> (i32, i32, i32) {
    %c0_i32 = arith.constant 0 : i32
    %c0_i32_0 = arith.constant 0 : i32
    return %arg0, %c0_i32, %arg1 : i32, i32, i32
  }
  func.func @transform_1(%arg0: i32, %arg1: i32) -> (i32, i32, i32) {
    %c0_i32 = arith.constant 0 : i32
    %c0_i32_0 = arith.constant 0 : i32
    %c0_i32_1 = arith.constant 0 : i32
    return %arg0, %c0_i32, %c0_i32_0 : i32, i32, i32
  }
  func.func @transform_2(%arg0: i32, %arg1: i32) -> (i32, i32, i32) {
    %mul3A = arith.constant 2 : i32
    %mul3A_0 = arith.muli %arg0, %mul3A : i32
    %jit3A = arith.constant 2 : i32
    %div3A = arith.divsi %arg1, %jit3A : i32
    %sign3A = arith.constant 0 : i32
    %sign3A_1 = arith.cmpi sgt, %arg1, %sign3A : i32
    %sign3A_2 = arith.extui %sign3A_1 : i1 to i32
    %sign3A_3 = arith.constant 0 : i32
    %sign3A_4 = arith.cmpi slt, %arg1, %sign3A_3 : i32
    %sign3A_5 = arith.extui %sign3A_4 : i1 to i32
    %sign3A_6 = arith.subi %sign3A_2, %sign3A_5 : i32
    %sign3A_7 = arith.constant 0 : i32
    %sign3A_8 = arith.cmpi sgt, %jit3A, %sign3A_7 : i32
    %sign3A_9 = arith.extui %sign3A_8 : i1 to i32
    %sign3A_10 = arith.constant 0 : i32
    %sign3A_11 = arith.cmpi slt, %jit3A, %sign3A_10 : i32
    %sign3A_12 = arith.extui %sign3A_11 : i1 to i32
    %sign3A_13 = arith.subi %sign3A_9, %sign3A_12 : i32
    %ne3A = arith.cmpi ne, %sign3A_6, %sign3A_13 : i32
    %rem3A = arith.remsi %arg1, %jit3A : i32
    %ne3A_14 = arith.constant 0 : i32
    %ne3A_15 = arith.cmpi ne, %rem3A, %ne3A_14 : i32
    %and3A = arith.andi %ne3A, %ne3A_15 : i1
    %sub3A = arith.constant 1 : i32
    %sub3A_16 = arith.subi %div3A, %sub3A : i32
    %select_n3A = arith.select %and3A, %sub3A_16, %div3A : i32
    %add3A = arith.addi %mul3A_0, %select_n3A : i32
    %jit3A_17 = arith.constant 2 : i32
    %eq3A = arith.constant 0 : i32
    %eq3A_18 = arith.cmpi eq, %jit3A_17, %eq3A : i32
    %jit3A_19 = arith.constant 1 : i32
    %select_n3A_20 = arith.select %eq3A_18, %jit3A_19, %jit3A_17 : i32
    %rem3A_21 = arith.remsi %arg1, %select_n3A_20 : i32
    %ne3A_22 = arith.constant 0 : i32
    %ne3A_23 = arith.cmpi ne, %rem3A_21, %ne3A_22 : i32
    %lt3A = arith.constant 0 : i32
    %lt3A_24 = arith.cmpi slt, %rem3A_21, %lt3A : i32
    %lt3A_25 = arith.constant 0 : i32
    %lt3A_26 = arith.cmpi slt, %select_n3A_20, %lt3A_25 : i32
    %ne3A_27 = arith.xori %lt3A_24, %lt3A_26 : i1
    %and3A_28 = arith.andi %ne3A_27, %ne3A_23 : i1
    %add3A_29 = arith.addi %rem3A_21, %select_n3A_20 : i32
    %select_n3A_30 = arith.select %and3A_28, %add3A_29, %rem3A_21 : i32
    %c0_i32 = arith.constant 0 : i32
    %c0_i32_31 = arith.constant 0 : i32
    return %add3A, %c0_i32, %select_n3A_30 : i32, i32, i32
  }
  func.func @transform_3(%arg0: i32, %arg1: i32) -> (i32, i32, i32) {
    %mul3A = arith.constant 2 : i32
    %mul3A_0 = arith.muli %arg0, %mul3A : i32
    %jit3A = arith.constant 2 : i32
    %div3A = arith.divsi %arg1, %jit3A : i32
    %sign3A = arith.constant 0 : i32
    %sign3A_1 = arith.cmpi sgt, %arg1, %sign3A : i32
    %sign3A_2 = arith.extui %sign3A_1 : i1 to i32
    %sign3A_3 = arith.constant 0 : i32
    %sign3A_4 = arith.cmpi slt, %arg1, %sign3A_3 : i32
    %sign3A_5 = arith.extui %sign3A_4 : i1 to i32
    %sign3A_6 = arith.subi %sign3A_2, %sign3A_5 : i32
    %sign3A_7 = arith.constant 0 : i32
    %sign3A_8 = arith.cmpi sgt, %jit3A, %sign3A_7 : i32
    %sign3A_9 = arith.extui %sign3A_8 : i1 to i32
    %sign3A_10 = arith.constant 0 : i32
    %sign3A_11 = arith.cmpi slt, %jit3A, %sign3A_10 : i32
    %sign3A_12 = arith.extui %sign3A_11 : i1 to i32
    %sign3A_13 = arith.subi %sign3A_9, %sign3A_12 : i32
    %ne3A = arith.cmpi ne, %sign3A_6, %sign3A_13 : i32
    %rem3A = arith.remsi %arg1, %jit3A : i32
    %ne3A_14 = arith.constant 0 : i32
    %ne3A_15 = arith.cmpi ne, %rem3A, %ne3A_14 : i32
    %and3A = arith.andi %ne3A, %ne3A_15 : i1
    %sub3A = arith.constant 1 : i32
    %sub3A_16 = arith.subi %div3A, %sub3A : i32
    %select_n3A = arith.select %and3A, %sub3A_16, %div3A : i32
    %add3A = arith.addi %mul3A_0, %select_n3A : i32
    %jit3A_17 = arith.constant 2 : i32
    %eq3A = arith.constant 0 : i32
    %eq3A_18 = arith.cmpi eq, %jit3A_17, %eq3A : i32
    %jit3A_19 = arith.constant 1 : i32
    %select_n3A_20 = arith.select %eq3A_18, %jit3A_19, %jit3A_17 : i32
    %rem3A_21 = arith.remsi %arg1, %select_n3A_20 : i32
    %ne3A_22 = arith.constant 0 : i32
    %ne3A_23 = arith.cmpi ne, %rem3A_21, %ne3A_22 : i32
    %lt3A = arith.constant 0 : i32
    %lt3A_24 = arith.cmpi slt, %rem3A_21, %lt3A : i32
    %lt3A_25 = arith.constant 0 : i32
    %lt3A_26 = arith.cmpi slt, %select_n3A_20, %lt3A_25 : i32
    %ne3A_27 = arith.xori %lt3A_24, %lt3A_26 : i1
    %and3A_28 = arith.andi %ne3A_27, %ne3A_23 : i1
    %add3A_29 = arith.addi %rem3A_21, %select_n3A_20 : i32
    %select_n3A_30 = arith.select %and3A_28, %add3A_29, %rem3A_21 : i32
    %c0_i32 = arith.constant 0 : i32
    %c0_i32_31 = arith.constant 0 : i32
    return %add3A, %c0_i32, %select_n3A_30 : i32, i32, i32
  }
}

module attributes {stable_mosaic.version = 14 : i64} {
  func.func @_mlp1_body(%arg0: i32, %arg1: i32, %arg2: memref<1x256x1024xf32, #tpu.memory_space<vmem>>, %arg3: memref<1x1024x128xi32, #tpu.memory_space<vmem>>, %arg4: memref<1x1024x128xi32, #tpu.memory_space<vmem>>, %arg5: memref<1x1024x128xi32, #tpu.memory_space<vmem>>, %arg6: memref<1x3x1024xf32, #tpu.memory_space<vmem>>, %arg7: memref<512x512xbf16, #tpu.memory_space<vmem>>, %arg8: memref<1x512x1024xbf16, #tpu.memory_space<vmem>>, %arg9: memref<1x8x512xf32, #tpu.memory_space<vmem>>) attributes {dimension_semantics = [#tpu.dimension_semantics<arbitrary>, #tpu.dimension_semantics<arbitrary>], iteration_bounds = array<i64: 16, 4>, scalar_prefetch = 0 : i64, scratch_operands = 0 : i64, tpu.core_type = #tpu.core_type<tc>, window_params = [{transform_indices = @transform_0, window_bounds = array<i64: 1, 256, 1024>}, {transform_indices = @transform_1, window_bounds = array<i64: 1, 1024, 128>}, {transform_indices = @transform_2, window_bounds = array<i64: 1, 1024, 128>}, {transform_indices = @transform_3, window_bounds = array<i64: 1, 1024, 128>}, {transform_indices = @transform_4, window_bounds = array<i64: 1, 3, 1024>}, {pipeline_mode = #tpu.pipeline_mode<synchronous>, transform_indices = @transform_5, window_bounds = array<i64: 512, 512>}, {transform_indices = @transform_6, window_bounds = array<i64: 1, 512, 1024>}, {transform_indices = @transform_7, window_bounds = array<i64: 1, 8, 512>}]} {
    %get3A = arith.constant 0 : index
    %get3A_0 = arith.constant 0 : index
    %get3A_1 = arith.constant 0 : index
    %get3A_2 = vector.load %arg2[%get3A, %get3A_0, %get3A_1] : memref<1x256x1024xf32, #tpu.memory_space<vmem>>, vector<1x256x1024xf32>
    %get3A_3 = vector.shape_cast %get3A_2 : vector<1x256x1024xf32> to vector<256x1024xf32>
    %get3A_4 = arith.constant 0 : index
    %get3A_5 = arith.constant 0 : index
    %get3A_6 = arith.constant 0 : index
    %get3A_7 = vector.load %arg6[%get3A_4, %get3A_5, %get3A_6] : memref<1x3x1024xf32, #tpu.memory_space<vmem>>, vector<1x3x1024xf32>
    %get3A_8 = vector.shape_cast %get3A_7 : vector<1x3x1024xf32> to vector<3x1024xf32>
    %get3A_9 = arith.constant 0 : index
    %get3A_10 = arith.constant 0 : index
    %get3A_11 = arith.constant 0 : index
    %get3A_12 = vector.load %arg3[%get3A_9, %get3A_10, %get3A_11] : memref<1x1024x128xi32, #tpu.memory_space<vmem>>, vector<1x1024x128xi32>
    %get3A_13 = vector.shape_cast %get3A_12 : vector<1x1024x128xi32> to vector<1024x128xi32>
    %shift_left3A = arith.constant 16 : i32
    %shift_left3A_14 = vector.broadcast %shift_left3A : i32 to vector<1024x128xi32>
    %shift_left3A_15 = arith.shli %get3A_13, %shift_left3A_14 : vector<1024x128xi32>
    %bitcast_convert_type3A = tpu.bitcast %shift_left3A_15 : vector<1024x128xi32> -> vector<1024x128xf32>
    %and3A = arith.constant -65536 : i32
    %and3A_16 = vector.broadcast %and3A : i32 to vector<1024x128xi32>
    %and3A_17 = arith.andi %get3A_13, %and3A_16 : vector<1024x128xi32>
    %bitcast_convert_type3A_18 = tpu.bitcast %and3A_17 : vector<1024x128xi32> -> vector<1024x128xf32>
    %get3A_19 = arith.constant 0 : index
    %get3A_20 = arith.constant 0 : index
    %get3A_21 = arith.constant 0 : index
    %get3A_22 = vector.load %arg4[%get3A_19, %get3A_20, %get3A_21] : memref<1x1024x128xi32, #tpu.memory_space<vmem>>, vector<1x1024x128xi32>
    %get3A_23 = vector.shape_cast %get3A_22 : vector<1x1024x128xi32> to vector<1024x128xi32>
    %shift_left3A_24 = arith.constant 16 : i32
    %shift_left3A_25 = vector.broadcast %shift_left3A_24 : i32 to vector<1024x128xi32>
    %shift_left3A_26 = arith.shli %get3A_23, %shift_left3A_25 : vector<1024x128xi32>
    %bitcast_convert_type3A_27 = tpu.bitcast %shift_left3A_26 : vector<1024x128xi32> -> vector<1024x128xf32>
    %and3A_28 = arith.constant -65536 : i32
    %and3A_29 = vector.broadcast %and3A_28 : i32 to vector<1024x128xi32>
    %and3A_30 = arith.andi %get3A_23, %and3A_29 : vector<1024x128xi32>
    %bitcast_convert_type3A_31 = tpu.bitcast %and3A_30 : vector<1024x128xi32> -> vector<1024x128xf32>
    %get3A_32 = arith.constant 0 : index
    %get3A_33 = arith.constant 0 : index
    %get3A_34 = arith.constant 0 : index
    %get3A_35 = vector.load %arg5[%get3A_32, %get3A_33, %get3A_34] : memref<1x1024x128xi32, #tpu.memory_space<vmem>>, vector<1x1024x128xi32>
    %get3A_36 = vector.shape_cast %get3A_35 : vector<1x1024x128xi32> to vector<1024x128xi32>
    %shift_left3A_37 = arith.constant 16 : i32
    %shift_left3A_38 = vector.broadcast %shift_left3A_37 : i32 to vector<1024x128xi32>
    %shift_left3A_39 = arith.shli %get3A_36, %shift_left3A_38 : vector<1024x128xi32>
    %bitcast_convert_type3A_40 = tpu.bitcast %shift_left3A_39 : vector<1024x128xi32> -> vector<1024x128xf32>
    %and3A_41 = arith.constant -65536 : i32
    %and3A_42 = vector.broadcast %and3A_41 : i32 to vector<1024x128xi32>
    %and3A_43 = arith.andi %get3A_36, %and3A_42 : vector<1024x128xi32>
    %bitcast_convert_type3A_44 = tpu.bitcast %and3A_43 : vector<1024x128xi32> -> vector<1024x128xf32>
    %slice3A = vector.extract_strided_slice %get3A_8 {offsets = [0, 0], sizes = [1, 1024], strides = [1, 1]} : vector<3x1024xf32> to vector<1x1024xf32>
    %squeeze3A = vector.shape_cast %slice3A : vector<1x1024xf32> to vector<1024xf32>
    %broadcast_in_dim3A = vector.shape_cast %squeeze3A : vector<1024xf32> to vector<1024x1xf32>
    %slice3A_45 = vector.extract_strided_slice %get3A_8 {offsets = [1, 0], sizes = [1, 1024], strides = [1, 1]} : vector<3x1024xf32> to vector<1x1024xf32>
    %squeeze3A_46 = vector.shape_cast %slice3A_45 : vector<1x1024xf32> to vector<1024xf32>
    %broadcast_in_dim3A_47 = vector.shape_cast %squeeze3A_46 : vector<1024xf32> to vector<1024x1xf32>
    %slice3A_48 = vector.extract_strided_slice %get3A_8 {offsets = [2, 0], sizes = [1, 1024], strides = [1, 1]} : vector<3x1024xf32> to vector<1x1024xf32>
    %squeeze3A_49 = vector.shape_cast %slice3A_48 : vector<1x1024xf32> to vector<1024xf32>
    %broadcast_in_dim3A_50 = vector.shape_cast %squeeze3A_49 : vector<1024xf32> to vector<1024x1xf32>
    %mul3A = vector.broadcast %broadcast_in_dim3A : vector<1024x1xf32> to vector<1024x128xf32>
    %mul3A_51 = arith.mulf %mul3A, %bitcast_convert_type3A : vector<1024x128xf32>
    %mul3A_52 = vector.broadcast %broadcast_in_dim3A_47 : vector<1024x1xf32> to vector<1024x128xf32>
    %mul3A_53 = arith.mulf %mul3A_52, %bitcast_convert_type3A_27 : vector<1024x128xf32>
    %add3A = arith.addf %mul3A_51, %mul3A_53 : vector<1024x128xf32>
    %mul3A_54 = vector.broadcast %broadcast_in_dim3A_50 : vector<1024x1xf32> to vector<1024x128xf32>
    %mul3A_55 = arith.mulf %mul3A_54, %bitcast_convert_type3A_40 : vector<1024x128xf32>
    %add3A_56 = arith.addf %add3A, %mul3A_55 : vector<1024x128xf32>
    %mul3A_57 = vector.broadcast %broadcast_in_dim3A : vector<1024x1xf32> to vector<1024x128xf32>
    %mul3A_58 = arith.mulf %mul3A_57, %bitcast_convert_type3A_18 : vector<1024x128xf32>
    %mul3A_59 = vector.broadcast %broadcast_in_dim3A_47 : vector<1024x1xf32> to vector<1024x128xf32>
    %mul3A_60 = arith.mulf %mul3A_59, %bitcast_convert_type3A_31 : vector<1024x128xf32>
    %add3A_61 = arith.addf %mul3A_58, %mul3A_60 : vector<1024x128xf32>
    %mul3A_62 = vector.broadcast %broadcast_in_dim3A_50 : vector<1024x1xf32> to vector<1024x128xf32>
    %mul3A_63 = arith.mulf %mul3A_62, %bitcast_convert_type3A_44 : vector<1024x128xf32>
    %add3A_64 = arith.addf %add3A_61, %mul3A_63 : vector<1024x128xf32>
    %concatenate3A = tpu.concatenate %add3A_56, %add3A_64 in 1 : vector<1024x128xf32>, vector<1024x128xf32> -> vector<1024x256xf32>
    %get3A_65 = arith.constant 0 : index
    %get3A_66 = arith.constant 0 : index
    %get3A_67 = vector.load %arg7[%get3A_65, %get3A_66] : memref<512x512xbf16, #tpu.memory_space<vmem>>, vector<512x512xbf16>
    %convert_element_type3A = arith.truncf %get3A_3 : vector<256x1024xf32> to vector<256x1024xbf16>
    %convert_element_type3A_68 = arith.truncf %concatenate3A : vector<1024x256xf32> to vector<1024x256xbf16>
    %slice3A_69 = vector.extract_strided_slice %get3A_67 {offsets = [0, 0], sizes = [512, 256], strides = [1, 1]} : vector<512x512xbf16> to vector<512x256xbf16>
    %dot_general3A = arith.constant dense<0.000000e+00> : vector<512x1024xf32>
    %dot_general3A_70 = tpu.matmul %slice3A_69, %convert_element_type3A, %dot_general3A {dimension_numbers = #tpu.dot_dimension_numbers<[1], [0], [0], [1], [0, 0, 1, 1], [], []>, transpose_lhs_hint = false} : vector<512x256xbf16>, vector<256x1024xbf16>, vector<512x1024xf32> -> vector<512x1024xf32>
    %slice3A_71 = vector.extract_strided_slice %get3A_67 {offsets = [0, 256], sizes = [512, 256], strides = [1, 1]} : vector<512x512xbf16> to vector<512x256xbf16>
    %dot_general3A_72 = arith.constant dense<0.000000e+00> : vector<512x1024xf32>
    %dot_general3A_73 = tpu.matmul %slice3A_71, %convert_element_type3A_68, %dot_general3A_72 {dimension_numbers = #tpu.dot_dimension_numbers<[1], [1], [0], [0], [0, 0, 1, 0], [], []>, transpose_lhs_hint = false} : vector<512x256xbf16>, vector<1024x256xbf16>, vector<512x1024xf32> -> vector<512x1024xf32>
    %add3A_74 = arith.addf %dot_general3A_70, %dot_general3A_73 : vector<512x1024xf32>
    %convert_element_type3A_75 = arith.truncf %add3A_74 : vector<512x1024xf32> to vector<512x1024xbf16>
    %swap3A = arith.constant 0 : index
    %swap3A_76 = arith.constant 0 : index
    %swap3A_77 = arith.constant 0 : index
    %swap3A_78 = vector.load %arg8[%swap3A, %swap3A_76, %swap3A_77] : memref<1x512x1024xbf16, #tpu.memory_space<vmem>>, vector<1x512x1024xbf16>
    %swap3A_79 = vector.shape_cast %swap3A_78 : vector<1x512x1024xbf16> to vector<512x1024xbf16>
    %swap3A_80 = vector.shape_cast %convert_element_type3A_75 : vector<512x1024xbf16> to vector<1x512x1024xbf16>
    tpu.vector_store %arg8[%swap3A, %swap3A_76, %swap3A_77], %swap3A_80 {strides = array<i32>} : memref<1x512x1024xbf16, #tpu.memory_space<vmem>>, vector<1x512x1024xbf16>,
    %reduce_sum3A = arith.constant dense<0.000000e+00> : vector<512xf32>
    %reduce_sum3A_81 = vector.multi_reduction <add>, %add3A_74, %reduce_sum3A [1] : vector<512x1024xf32> to vector<512xf32>
    %mul3A_82 = arith.mulf %add3A_74, %add3A_74 : vector<512x1024xf32>
    %reduce_sum3A_83 = arith.constant dense<0.000000e+00> : vector<512xf32>
    %reduce_sum3A_84 = vector.multi_reduction <add>, %mul3A_82, %reduce_sum3A_83 [1] : vector<512x1024xf32> to vector<512xf32>
    %broadcast_in_dim3A_85 = vector.shape_cast %reduce_sum3A_81 : vector<512xf32> to vector<1x512xf32>
    %broadcast_in_dim3A_86 = vector.shape_cast %reduce_sum3A_84 : vector<512xf32> to vector<1x512xf32>
    %broadcast_in_dim3A_87 = arith.constant 0.000000e+00 : f32
    %broadcast_in_dim3A_88 = vector.broadcast %broadcast_in_dim3A_87 : f32 to vector<6x512xf32>
    %concatenate3A_89 = tpu.concatenate %broadcast_in_dim3A_85, %broadcast_in_dim3A_86, %broadcast_in_dim3A_88 in 0 : vector<1x512xf32>, vector<1x512xf32>, vector<6x512xf32> -> vector<8x512xf32>
    %swap3A_90 = arith.constant 0 : index
    %swap3A_91 = arith.constant 0 : index
    %swap3A_92 = arith.constant 0 : index
    %swap3A_93 = vector.load %arg9[%swap3A_90, %swap3A_91, %swap3A_92] : memref<1x8x512xf32, #tpu.memory_space<vmem>>, vector<1x8x512xf32>
    %swap3A_94 = vector.shape_cast %swap3A_93 : vector<1x8x512xf32> to vector<8x512xf32>
    %swap3A_95 = vector.shape_cast %concatenate3A_89 : vector<8x512xf32> to vector<1x8x512xf32>
    tpu.vector_store %arg9[%swap3A_90, %swap3A_91, %swap3A_92], %swap3A_95 {strides = array<i32>} : memref<1x8x512xf32, #tpu.memory_space<vmem>>, vector<1x8x512xf32>,
    return
  }
  func.func @transform_0(%arg0: i32, %arg1: i32) -> (i32, i32, i32) {
    %c0_i32 = arith.constant 0 : i32
    %c0_i32_0 = arith.constant 0 : i32
    return %arg0, %c0_i32, %arg1 : i32, i32, i32
  }
  func.func @transform_1(%arg0: i32, %arg1: i32) -> (i32, i32, i32) {
    %mul3A = arith.constant 4 : i32
    %mul3A_0 = arith.muli %arg0, %mul3A : i32
    %add3A = arith.addi %mul3A_0, %arg1 : i32
    %c0_i32 = arith.constant 0 : i32
    %c0_i32_1 = arith.constant 0 : i32
    %c0_i32_2 = arith.constant 0 : i32
    return %c0_i32, %add3A, %c0_i32_1 : i32, i32, i32
  }
  func.func @transform_2(%arg0: i32, %arg1: i32) -> (i32, i32, i32) {
    %mul3A = arith.constant 4 : i32
    %mul3A_0 = arith.muli %arg0, %mul3A : i32
    %add3A = arith.addi %mul3A_0, %arg1 : i32
    %c1_i32 = arith.constant 1 : i32
    %c0_i32 = arith.constant 0 : i32
    %c0_i32_1 = arith.constant 0 : i32
    return %c1_i32, %add3A, %c0_i32 : i32, i32, i32
  }
  func.func @transform_3(%arg0: i32, %arg1: i32) -> (i32, i32, i32) {
    %mul3A = arith.constant 4 : i32
    %mul3A_0 = arith.muli %arg0, %mul3A : i32
    %add3A = arith.addi %mul3A_0, %arg1 : i32
    %c2_i32 = arith.constant 2 : i32
    %c0_i32 = arith.constant 0 : i32
    %c0_i32_1 = arith.constant 0 : i32
    return %c2_i32, %add3A, %c0_i32 : i32, i32, i32
  }
  func.func @transform_4(%arg0: i32, %arg1: i32) -> (i32, i32, i32) {
    %mul3A = arith.constant 2 : i32
    %mul3A_0 = arith.muli %arg0, %mul3A : i32
    %jit3A = arith.constant 2 : i32
    %div3A = arith.divsi %arg1, %jit3A : i32
    %sign3A = arith.constant 0 : i32
    %sign3A_1 = arith.cmpi sgt, %arg1, %sign3A : i32
    %sign3A_2 = arith.extui %sign3A_1 : i1 to i32
    %sign3A_3 = arith.constant 0 : i32
    %sign3A_4 = arith.cmpi slt, %arg1, %sign3A_3 : i32
    %sign3A_5 = arith.extui %sign3A_4 : i1 to i32
    %sign3A_6 = arith.subi %sign3A_2, %sign3A_5 : i32
    %sign3A_7 = arith.constant 0 : i32
    %sign3A_8 = arith.cmpi sgt, %jit3A, %sign3A_7 : i32
    %sign3A_9 = arith.extui %sign3A_8 : i1 to i32
    %sign3A_10 = arith.constant 0 : i32
    %sign3A_11 = arith.cmpi slt, %jit3A, %sign3A_10 : i32
    %sign3A_12 = arith.extui %sign3A_11 : i1 to i32
    %sign3A_13 = arith.subi %sign3A_9, %sign3A_12 : i32
    %ne3A = arith.cmpi ne, %sign3A_6, %sign3A_13 : i32
    %rem3A = arith.remsi %arg1, %jit3A : i32
    %ne3A_14 = arith.constant 0 : i32
    %ne3A_15 = arith.cmpi ne, %rem3A, %ne3A_14 : i32
    %and3A = arith.andi %ne3A, %ne3A_15 : i1
    %sub3A = arith.constant 1 : i32
    %sub3A_16 = arith.subi %div3A, %sub3A : i32
    %select_n3A = arith.select %and3A, %sub3A_16, %div3A : i32
    %add3A = arith.addi %mul3A_0, %select_n3A : i32
    %jit3A_17 = arith.constant 2 : i32
    %eq3A = arith.constant 0 : i32
    %eq3A_18 = arith.cmpi eq, %jit3A_17, %eq3A : i32
    %jit3A_19 = arith.constant 1 : i32
    %select_n3A_20 = arith.select %eq3A_18, %jit3A_19, %jit3A_17 : i32
    %rem3A_21 = arith.remsi %arg1, %select_n3A_20 : i32
    %ne3A_22 = arith.constant 0 : i32
    %ne3A_23 = arith.cmpi ne, %rem3A_21, %ne3A_22 : i32
    %lt3A = arith.constant 0 : i32
    %lt3A_24 = arith.cmpi slt, %rem3A_21, %lt3A : i32
    %lt3A_25 = arith.constant 0 : i32
    %lt3A_26 = arith.cmpi slt, %select_n3A_20, %lt3A_25 : i32
    %ne3A_27 = arith.xori %lt3A_24, %lt3A_26 : i1
    %and3A_28 = arith.andi %ne3A_27, %ne3A_23 : i1
    %add3A_29 = arith.addi %rem3A_21, %select_n3A_20 : i32
    %select_n3A_30 = arith.select %and3A_28, %add3A_29, %rem3A_21 : i32
    %c0_i32 = arith.constant 0 : i32
    %c0_i32_31 = arith.constant 0 : i32
    return %add3A, %c0_i32, %select_n3A_30 : i32, i32, i32
  }
  func.func @transform_5(%arg0: i32, %arg1: i32) -> (i32, i32) {
    %c0_i32 = arith.constant 0 : i32
    %c0_i32_0 = arith.constant 0 : i32
    %c0_i32_1 = arith.constant 0 : i32
    return %c0_i32, %c0_i32_0 : i32, i32
  }
  func.func @transform_6(%arg0: i32, %arg1: i32) -> (i32, i32, i32) {
    %c0_i32 = arith.constant 0 : i32
    %c0_i32_0 = arith.constant 0 : i32
    return %arg0, %c0_i32, %arg1 : i32, i32, i32
  }
  func.func @transform_7(%arg0: i32, %arg1: i32) -> (i32, i32, i32) {
    %mul3A = arith.constant 4 : i32
    %mul3A_0 = arith.muli %arg0, %mul3A : i32
    %add3A = arith.addi %mul3A_0, %arg1 : i32
    %c0_i32 = arith.constant 0 : i32
    %c0_i32_1 = arith.constant 0 : i32
    %c0_i32_2 = arith.constant 0 : i32
    return %add3A, %c0_i32, %c0_i32_1 : i32, i32, i32
  }
}

module attributes {stable_mosaic.version = 14 : i64} {
  func.func @_mlp2_body(%arg0: i32, %arg1: i32, %arg2: memref<1x512x1024xbf16, #tpu.memory_space<vmem>>, %arg3: memref<512x8xf32, #tpu.memory_space<vmem>>, %arg4: memref<512x512xbf16, #tpu.memory_space<vmem>>, %arg5: memref<1x512x1024xbf16, #tpu.memory_space<vmem>>, %arg6: memref<1x8x512xf32, #tpu.memory_space<vmem>>) attributes {dimension_semantics = [#tpu.dimension_semantics<arbitrary>, #tpu.dimension_semantics<arbitrary>], iteration_bounds = array<i64: 16, 4>, scalar_prefetch = 0 : i64, scratch_operands = 0 : i64, tpu.core_type = #tpu.core_type<tc>, window_params = [{transform_indices = @transform_0, window_bounds = array<i64: 1, 512, 1024>}, {pipeline_mode = #tpu.pipeline_mode<synchronous>, transform_indices = @transform_1, window_bounds = array<i64: 512, 8>}, {pipeline_mode = #tpu.pipeline_mode<synchronous>, transform_indices = @transform_2, window_bounds = array<i64: 512, 512>}, {transform_indices = @transform_3, window_bounds = array<i64: 1, 512, 1024>}, {transform_indices = @transform_4, window_bounds = array<i64: 1, 8, 512>}]} {
    %get3A = arith.constant 0 : index
    %get3A_0 = arith.constant 0 : index
    %get3A_1 = vector.load %arg3[%get3A, %get3A_0] : memref<512x8xf32, #tpu.memory_space<vmem>>, vector<512x8xf32>
    %get3A_2 = arith.constant 0 : index
    %get3A_3 = arith.constant 0 : index
    %get3A_4 = arith.constant 0 : index
    %get3A_5 = vector.load %arg2[%get3A_2, %get3A_3, %get3A_4] : memref<1x512x1024xbf16, #tpu.memory_space<vmem>>, vector<1x512x1024xbf16>
    %get3A_6 = vector.shape_cast %get3A_5 : vector<1x512x1024xbf16> to vector<512x1024xbf16>
    %convert_element_type3A = arith.extf %get3A_6 : vector<512x1024xbf16> to vector<512x1024xf32>
    %slice3A = vector.extract_strided_slice %get3A_1 {offsets = [0, 0], sizes = [512, 1], strides = [1, 1]} : vector<512x8xf32> to vector<512x1xf32>
    %sub3A = vector.broadcast %slice3A : vector<512x1xf32> to vector<512x1024xf32>
    %sub3A_7 = arith.subf %convert_element_type3A, %sub3A : vector<512x1024xf32>
    %slice3A_8 = vector.extract_strided_slice %get3A_1 {offsets = [0, 1], sizes = [512, 1], strides = [1, 1]} : vector<512x8xf32> to vector<512x1xf32>
    %mul3A = vector.broadcast %slice3A_8 : vector<512x1xf32> to vector<512x1024xf32>
    %mul3A_9 = arith.mulf %sub3A_7, %mul3A : vector<512x1024xf32>
    %slice3A_10 = vector.extract_strided_slice %get3A_1 {offsets = [0, 2], sizes = [512, 1], strides = [1, 1]} : vector<512x8xf32> to vector<512x1xf32>
    %mul3A_11 = vector.broadcast %slice3A_10 : vector<512x1xf32> to vector<512x1024xf32>
    %mul3A_12 = arith.mulf %mul3A_9, %mul3A_11 : vector<512x1024xf32>
    %slice3A_13 = vector.extract_strided_slice %get3A_1 {offsets = [0, 3], sizes = [512, 1], strides = [1, 1]} : vector<512x8xf32> to vector<512x1xf32>
    %add3A = vector.broadcast %slice3A_13 : vector<512x1xf32> to vector<512x1024xf32>
    %add3A_14 = arith.addf %mul3A_12, %add3A : vector<512x1024xf32>
    %mul3A_15 = arith.constant 5.000000e-01 : f32
    %mul3A_16 = vector.broadcast %mul3A_15 : f32 to vector<512x1024xf32>
    %mul3A_17 = arith.mulf %mul3A_16, %add3A_14 : vector<512x1024xf32>
    %mul3A_18 = arith.constant 0.707106769 : f32
    %mul3A_19 = vector.broadcast %mul3A_18 : f32 to vector<512x1024xf32>
    %mul3A_20 = arith.mulf %add3A_14, %mul3A_19 : vector<512x1024xf32>
    %erf3A = math.erf %mul3A_20 : vector<512x1024xf32>
    %add3A_21 = arith.constant 1.000000e+00 : f32
    %add3A_22 = vector.broadcast %add3A_21 : f32 to vector<512x1024xf32>
    %add3A_23 = arith.addf %add3A_22, %erf3A : vector<512x1024xf32>
    %mul3A_24 = arith.mulf %mul3A_17, %add3A_23 : vector<512x1024xf32>
    %convert_element_type3A_25 = arith.truncf %mul3A_24 : vector<512x1024xf32> to vector<512x1024xbf16>
    %get3A_26 = arith.constant 0 : index
    %get3A_27 = arith.constant 0 : index
    %get3A_28 = vector.load %arg4[%get3A_26, %get3A_27] : memref<512x512xbf16, #tpu.memory_space<vmem>>, vector<512x512xbf16>
    %dot_general3A = arith.constant dense<0.000000e+00> : vector<512x1024xf32>
    %dot_general3A_29 = tpu.matmul %get3A_28, %convert_element_type3A_25, %dot_general3A {dimension_numbers = #tpu.dot_dimension_numbers<[1], [0], [0], [1], [0, 0, 1, 1], [], []>, transpose_lhs_hint = false} : vector<512x512xbf16>, vector<512x1024xbf16>, vector<512x1024xf32> -> vector<512x1024xf32>
    %convert_element_type3A_30 = arith.truncf %dot_general3A_29 : vector<512x1024xf32> to vector<512x1024xbf16>
    %swap3A = arith.constant 0 : index
    %swap3A_31 = arith.constant 0 : index
    %swap3A_32 = arith.constant 0 : index
    %swap3A_33 = vector.load %arg5[%swap3A, %swap3A_31, %swap3A_32] : memref<1x512x1024xbf16, #tpu.memory_space<vmem>>, vector<1x512x1024xbf16>
    %swap3A_34 = vector.shape_cast %swap3A_33 : vector<1x512x1024xbf16> to vector<512x1024xbf16>
    %swap3A_35 = vector.shape_cast %convert_element_type3A_30 : vector<512x1024xbf16> to vector<1x512x1024xbf16>
    tpu.vector_store %arg5[%swap3A, %swap3A_31, %swap3A_32], %swap3A_35 {strides = array<i32>} : memref<1x512x1024xbf16, #tpu.memory_space<vmem>>, vector<1x512x1024xbf16>,
    %reduce_sum3A = arith.constant dense<0.000000e+00> : vector<512xf32>
    %reduce_sum3A_36 = vector.multi_reduction <add>, %dot_general3A_29, %reduce_sum3A [1] : vector<512x1024xf32> to vector<512xf32>
    %mul3A_37 = arith.mulf %dot_general3A_29, %dot_general3A_29 : vector<512x1024xf32>
    %reduce_sum3A_38 = arith.constant dense<0.000000e+00> : vector<512xf32>
    %reduce_sum3A_39 = vector.multi_reduction <add>, %mul3A_37, %reduce_sum3A_38 [1] : vector<512x1024xf32> to vector<512xf32>
    %broadcast_in_dim3A = vector.shape_cast %reduce_sum3A_36 : vector<512xf32> to vector<1x512xf32>
    %broadcast_in_dim3A_40 = vector.shape_cast %reduce_sum3A_39 : vector<512xf32> to vector<1x512xf32>
    %broadcast_in_dim3A_41 = arith.constant 0.000000e+00 : f32
    %broadcast_in_dim3A_42 = vector.broadcast %broadcast_in_dim3A_41 : f32 to vector<6x512xf32>
    %concatenate3A = tpu.concatenate %broadcast_in_dim3A, %broadcast_in_dim3A_40, %broadcast_in_dim3A_42 in 0 : vector<1x512xf32>, vector<1x512xf32>, vector<6x512xf32> -> vector<8x512xf32>
    %swap3A_43 = arith.constant 0 : index
    %swap3A_44 = arith.constant 0 : index
    %swap3A_45 = arith.constant 0 : index
    %swap3A_46 = vector.load %arg6[%swap3A_43, %swap3A_44, %swap3A_45] : memref<1x8x512xf32, #tpu.memory_space<vmem>>, vector<1x8x512xf32>
    %swap3A_47 = vector.shape_cast %swap3A_46 : vector<1x8x512xf32> to vector<8x512xf32>
    %swap3A_48 = vector.shape_cast %concatenate3A : vector<8x512xf32> to vector<1x8x512xf32>
    tpu.vector_store %arg6[%swap3A_43, %swap3A_44, %swap3A_45], %swap3A_48 {strides = array<i32>} : memref<1x8x512xf32, #tpu.memory_space<vmem>>, vector<1x8x512xf32>,
    return
  }
  func.func @transform_0(%arg0: i32, %arg1: i32) -> (i32, i32, i32) {
    %c0_i32 = arith.constant 0 : i32
    %c0_i32_0 = arith.constant 0 : i32
    return %arg0, %c0_i32, %arg1 : i32, i32, i32
  }
  func.func @transform_1(%arg0: i32, %arg1: i32) -> (i32, i32) {
    %c0_i32 = arith.constant 0 : i32
    %c0_i32_0 = arith.constant 0 : i32
    %c0_i32_1 = arith.constant 0 : i32
    return %c0_i32, %c0_i32_0 : i32, i32
  }
  func.func @transform_2(%arg0: i32, %arg1: i32) -> (i32, i32) {
    %c0_i32 = arith.constant 0 : i32
    %c0_i32_0 = arith.constant 0 : i32
    %c0_i32_1 = arith.constant 0 : i32
    return %c0_i32, %c0_i32_0 : i32, i32
  }
  func.func @transform_3(%arg0: i32, %arg1: i32) -> (i32, i32, i32) {
    %c0_i32 = arith.constant 0 : i32
    %c0_i32_0 = arith.constant 0 : i32
    return %arg0, %c0_i32, %arg1 : i32, i32, i32
  }
  func.func @transform_4(%arg0: i32, %arg1: i32) -> (i32, i32, i32) {
    %mul3A = arith.constant 4 : i32
    %mul3A_0 = arith.muli %arg0, %mul3A : i32
    %add3A = arith.addi %mul3A_0, %arg1 : i32
    %c0_i32 = arith.constant 0 : i32
    %c0_i32_1 = arith.constant 0 : i32
    %c0_i32_2 = arith.constant 0 : i32
    return %add3A, %c0_i32, %c0_i32_1 : i32, i32, i32
  }
}

module attributes {stable_mosaic.version = 14 : i64} {
  func.func @_norm_body(%arg0: i32, %arg1: i32, %arg2: memref<1x512x1024xbf16, #tpu.memory_space<vmem>>, %arg3: memref<512x8xf32, #tpu.memory_space<vmem>>, %arg4: memref<1x512x1024xf32, #tpu.memory_space<vmem>>) attributes {dimension_semantics = [#tpu.dimension_semantics<arbitrary>, #tpu.dimension_semantics<arbitrary>], iteration_bounds = array<i64: 16, 4>, scalar_prefetch = 0 : i64, scratch_operands = 0 : i64, tpu.core_type = #tpu.core_type<tc>, window_params = [{transform_indices = @transform_0, window_bounds = array<i64: 1, 512, 1024>}, {pipeline_mode = #tpu.pipeline_mode<synchronous>, transform_indices = @transform_1, window_bounds = array<i64: 512, 8>}, {transform_indices = @transform_2, window_bounds = array<i64: 1, 512, 1024>}]} {
    %get3A = arith.constant 0 : index
    %get3A_0 = arith.constant 0 : index
    %get3A_1 = vector.load %arg3[%get3A, %get3A_0] : memref<512x8xf32, #tpu.memory_space<vmem>>, vector<512x8xf32>
    %get3A_2 = arith.constant 0 : index
    %get3A_3 = arith.constant 0 : index
    %get3A_4 = arith.constant 0 : index
    %get3A_5 = vector.load %arg2[%get3A_2, %get3A_3, %get3A_4] : memref<1x512x1024xbf16, #tpu.memory_space<vmem>>, vector<1x512x1024xbf16>
    %get3A_6 = vector.shape_cast %get3A_5 : vector<1x512x1024xbf16> to vector<512x1024xbf16>
    %convert_element_type3A = arith.extf %get3A_6 : vector<512x1024xbf16> to vector<512x1024xf32>
    %slice3A = vector.extract_strided_slice %get3A_1 {offsets = [0, 0], sizes = [512, 1], strides = [1, 1]} : vector<512x8xf32> to vector<512x1xf32>
    %sub3A = vector.broadcast %slice3A : vector<512x1xf32> to vector<512x1024xf32>
    %sub3A_7 = arith.subf %convert_element_type3A, %sub3A : vector<512x1024xf32>
    %slice3A_8 = vector.extract_strided_slice %get3A_1 {offsets = [0, 1], sizes = [512, 1], strides = [1, 1]} : vector<512x8xf32> to vector<512x1xf32>
    %mul3A = vector.broadcast %slice3A_8 : vector<512x1xf32> to vector<512x1024xf32>
    %mul3A_9 = arith.mulf %sub3A_7, %mul3A : vector<512x1024xf32>
    %slice3A_10 = vector.extract_strided_slice %get3A_1 {offsets = [0, 2], sizes = [512, 1], strides = [1, 1]} : vector<512x8xf32> to vector<512x1xf32>
    %mul3A_11 = vector.broadcast %slice3A_10 : vector<512x1xf32> to vector<512x1024xf32>
    %mul3A_12 = arith.mulf %mul3A_9, %mul3A_11 : vector<512x1024xf32>
    %slice3A_13 = vector.extract_strided_slice %get3A_1 {offsets = [0, 3], sizes = [512, 1], strides = [1, 1]} : vector<512x8xf32> to vector<512x1xf32>
    %add3A = vector.broadcast %slice3A_13 : vector<512x1xf32> to vector<512x1024xf32>
    %add3A_14 = arith.addf %mul3A_12, %add3A : vector<512x1024xf32>
    %mul3A_15 = arith.constant 5.000000e-01 : f32
    %mul3A_16 = vector.broadcast %mul3A_15 : f32 to vector<512x1024xf32>
    %mul3A_17 = arith.mulf %mul3A_16, %add3A_14 : vector<512x1024xf32>
    %mul3A_18 = arith.constant 0.707106769 : f32
    %mul3A_19 = vector.broadcast %mul3A_18 : f32 to vector<512x1024xf32>
    %mul3A_20 = arith.mulf %add3A_14, %mul3A_19 : vector<512x1024xf32>
    %erf3A = math.erf %mul3A_20 : vector<512x1024xf32>
    %add3A_21 = arith.constant 1.000000e+00 : f32
    %add3A_22 = vector.broadcast %add3A_21 : f32 to vector<512x1024xf32>
    %add3A_23 = arith.addf %add3A_22, %erf3A : vector<512x1024xf32>
    %mul3A_24 = arith.mulf %mul3A_17, %add3A_23 : vector<512x1024xf32>
    %swap3A = arith.constant 0 : index
    %swap3A_25 = arith.constant 0 : index
    %swap3A_26 = arith.constant 0 : index
    %swap3A_27 = vector.load %arg4[%swap3A, %swap3A_25, %swap3A_26] : memref<1x512x1024xf32, #tpu.memory_space<vmem>>, vector<1x512x1024xf32>
    %swap3A_28 = vector.shape_cast %swap3A_27 : vector<1x512x1024xf32> to vector<512x1024xf32>
    %swap3A_29 = vector.shape_cast %mul3A_24 : vector<512x1024xf32> to vector<1x512x1024xf32>
    tpu.vector_store %arg4[%swap3A, %swap3A_25, %swap3A_26], %swap3A_29 {strides = array<i32>} : memref<1x512x1024xf32, #tpu.memory_space<vmem>>, vector<1x512x1024xf32>,
    return
  }
  func.func @transform_0(%arg0: i32, %arg1: i32) -> (i32, i32, i32) {
    %c0_i32 = arith.constant 0 : i32
    %c0_i32_0 = arith.constant 0 : i32
    return %arg0, %c0_i32, %arg1 : i32, i32, i32
  }
  func.func @transform_1(%arg0: i32, %arg1: i32) -> (i32, i32) {
    %c0_i32 = arith.constant 0 : i32
    %c0_i32_0 = arith.constant 0 : i32
    %c0_i32_1 = arith.constant 0 : i32
    return %c0_i32, %c0_i32_0 : i32, i32
  }
  func.func @transform_2(%arg0: i32, %arg1: i32) -> (i32, i32, i32) {
    %c0_i32 = arith.constant 0 : i32
    %c0_i32_0 = arith.constant 0 : i32
    return %arg0, %c0_i32, %arg1 : i32, i32, i32
  }
}

</mosaic_0001>

<sc_bundles>
// kernel: kernel.7.cloned.1.call-start
scs
__scs_entry_jumppad:
0x0: {  	(pc) =	sbr.rel $0x88, $3  }
0x1: {  	(tag) =	ssettag $0x0;
	lr =	simm.s32 $0x1  }
0x2: {  	[smem:$0x3F97] =	sst lr;
	_ =	strace $0xD0000000  }
0x3: {  	_ = 	snop  }
0x4: {  	_ = 	snop  }
0x5: {  	_ = 	snop  }
0x6: {  	_ = 	snop  }
0x7: {  	_ = 	snop  }
__scs_overlays_trampoline_lowered:
0x8: {  	[smem:$0x3FA6] =	sst s0  }
0x9: {  	[smem:$0x3FA7] =	sst s1  }
0xa: {  	[smem:$0x3FA8] =	sst s2  }
0xb: {  	[smem:$0x3FA9] =	sst s3  }
0xc: {  	[smem:$0x3FAA] =	sst s4  }
0xd: {  	[smem:$0x3FAB] =	sst s5  }
0xe: {  	[smem:$0x3FAC] =	sst s6  }
0xf: {  	[smem:$0x3FAD] =	sst s7  }
0x10: {  	[smem:$0x3FAE] =	sst s8  }
0x11: {  	[smem:$0x3FAF] =	sst s9;
	s0 =	simm.s32 @!p0 $0x0  }
0x12: {  	s1 =	sld [smem:$0x3F95];
	s0 =	simm.s32 @p0 $0x1  }
0x13: {  	[smem:$0x3FB0] =	sst s0;
	s0 =	simm.s32 @!p1 $0x0  }
0x14: {  	s2 =	sld [smem:$0x3F94];
	s0 =	simm.s32 @p1 $0x1  }
0x15: {  	[smem:$0x3FB1] =	sst s0;
	s0 =	simm.s32 @!p2 $0x0  }
0x16: {  	s3 =	sld [smem:$0x3FDB];
	s0 =	simm.s32 @p2 $0x1  }
0x17: {  	s4 =	simm.s32 $0x1BF5;
	[smem:$0x3FB3] =	sst s0  }
0x18: {  	s0 =	sld [smem:$0x3F96];
	_ =	swait.ge [sflag:s4], $0x0  }
0x19: {  	s7 =	sld [smem:$0x3F97]  }
0x1a: {  	s8 =	sadd.s32 $0xFFFFE003, lr  }
0x1b: {  	s9 =	sadd.s32 $0xFFFFFEF7, lr;
	s5 =	simm.s32 $0xFFFFFFFF;
	p2 =	slt.u32 s8, $0xFFFFF086  }
0x1c: {  	p1 =	slt.u32 s9, $0xF7A;
	s5 =	simm.s32 @!p2 $0x0  }
0x1d: {  	s5 =	simm.s32 @p1 $0x1;
	p0 =	seq.s32 s7, s2  }
0x1e: {  	s7 =	smul.u32 @!p0 $0xF7A, s2;
	p2 =	seq.s32 @!p0 s5, $0x0  }
0x1f: {  	s9 =	smul.u32 $0xF7A, s1;
	s8 =	simm.s32 @!p0 $0x1BF5;
	p2 =	por !p2, p0  }
0x20: {  	[sflag:s8] =	ssyncset.s32 @!p0 $0xFFFFF086;
	s6 =	sadd.s32 @!p0 s3, s7;
	s7 =	simm.s32 @!p0 $0x108  }
0x21: {  	s3 =	sadd.s32 s3, s9;
	s6 =	sadd.s32 @!p0 $0x88, s6;
	s7 =	simm.s32 @p2 $0x1082  }
0x22: {  	[simem:s7], [sflag:s8] =	dma.local @!p0 [hbm:s6], $0xF7A  }
0x23: {  	s9 =	sor.u32 $0xD0000000, s2;
	s6 =	simm.s32 $0x108;
	_ =	swait.ge @!p0 [sflag:s8], $0x0  }
0x24: {  	s3 =	sadd.s32 $0x88, s3;
	s6 =	simm.s32 @!p1 $0x1082;
	[sflag:s4] =	ssyncset.s32 $0xFFFFF086  }
0x25: {  	[simem:s6], [sflag:s4] =	dma.local [hbm:s3], $0xF7A  }
0x26: {  	[smem:$0x3F97] =	sst s1;
	(tag) =	ssettag s2;
	_ =	strace s9  }
0x27: {  	s1 =	sld [smem:$0x3FA7]  }
0x28: {  	s2 =	sld [smem:$0x3FA8]  }
0x29: {  	s4 =	sld [smem:$0x3FAA]  }
0x2a: {  	p0 =	seq.s32 s5, $0x0;
	s5 =	sld [smem:$0x3FAB]  }
0x2b: {  	s6 =	sld [smem:$0x3FAC]  }
0x2c: {  	s7 =	sld [smem:$0x3FAD]  }
0x2d: {  	s3 =	simm.s32 $0x108;
	s8 =	sld [smem:$0x3FAE]  }
0x2e: {  	s3 =	simm.s32 @!p0 $0x1082;
	s9 =	sld [smem:$0x3FAF]  }
0x2f: {  	lr =	sadd.s32 s0, s3;
	s0 =	sld [smem:$0x3FA6]  }
0x30: {  	s3 =	sld [smem:$0x3FA9]  }
0x31: {  	[smem:$0x3FB2] =	sst s10  }
0x32: {  	s10 =	sld [smem:$0x3FB0];
	_ =	sdelay $0x3  }
0x33: {  	p0 =	seq.s32 s10, $0x1;
	s10 =	sld [smem:$0x3FB2];
	_ =	sdelay $0x3  }
0x34: {  	[smem:$0x3FB2] =	sst s10  }
0x35: {  	s10 =	sld [smem:$0x3FB1];
	_ =	sdelay $0x3  }
0x36: {  	p1 =	seq.s32 s10, $0x1;
	s10 =	sld [smem:$0x3FB2];
	_ =	sdelay $0x3  }
0x37: {  	[smem:$0x3FB2] =	sst s10  }
0x38: {  	s10 =	sld [smem:$0x3FB3]  }
0x39: {  	_ = 	snop;
	(pc) =	sbr.ind lr, $3  }
0x3a: {  	_ = 	snop  }
0x3b: {  	_ = 	snop  }
0x3c: {  	p2 =	seq.s32 s10, $0x1;
	s10 =	sld [smem:$0x3FB2]  }
0x3d: {  	_ =	shalt  }
0x3e: {  	_ =	shalt  }
0x3f: {  	_ =	shalt  }
0x40: {  	_ =	shalt  }
0x41: {  	_ =	shalt  }
0x42: {  	_ =	shalt  }
0x43: {  	_ =	shalt  }
0x44: {  	_ =	shalt  }
0x45: {  	_ =	shalt  }
0x46: {  	_ =	shalt  }
0x47: {  	_ =	shalt  }
0x48: {  	_ =	shalt  }
0x49: {  	_ =	shalt  }
0x4a: {  	_ =	shalt  }
0x4b: {  	_ =	shalt  }
0x4c: {  	_ =	shalt  }
0x4d: {  	_ =	shalt  }
0x4e: {  	_ =	shalt  }
0x4f: {  	_ =	shalt  }
0x50: {  	_ =	shalt  }
0x51: {  	_ =	shalt  }
0x52: {  	_ =	shalt  }
0x53: {  	_ =	shalt  }
0x54: {  	_ =	shalt  }
0x55: {  	_ =	shalt  }
0x56: {  	_ =	shalt  }
0x57: {  	_ =	shalt  }
0x58: {  	_ =	shalt  }
0x59: {  	_ =	shalt  }
0x5a: {  	_ =	shalt  }
0x5b: {  	_ =	shalt  }
0x5c: {  	_ =	shalt  }
0x5d: {  	_ =	shalt  }
0x5e: {  	_ =	shalt  }
0x5f: {  	_ =	shalt  }
0x60: {  	_ =	shalt  }
0x61: {  	_ =	shalt  }
0x62: {  	_ =	shalt  }
0x63: {  	_ =	shalt  }
0x64: {  	_ =	shalt  }
0x65: {  	_ =	shalt  }
0x66: {  	_ =	shalt  }
0x67: {  	_ =	shalt  }
0x68: {  	_ =	shalt  }
0x69: {  	_ =	shalt  }
0x6a: {  	_ =	shalt  }
0x6b: {  	_ =	shalt  }
0x6c: {  	_ =	shalt  }
0x6d: {  	_ =	shalt  }
0x6e: {  	_ =	shalt  }
0x6f: {  	_ =	shalt  }
0x70: {  	_ =	shalt  }
0x71: {  	_ =	shalt  }
0x72: {  	_ =	shalt  }
0x73: {  	_ =	shalt  }
0x74: {  	_ =	shalt  }
0x75: {  	_ =	shalt  }
0x76: {  	_ =	shalt  }
0x77: {  	_ =	shalt  }
0x78: {  	_ =	shalt  }
0x79: {  	_ =	shalt  }
0x7a: {  	_ =	shalt  }
0x7b: {  	_ =	shalt  }
0x7c: {  	_ =	shalt  }
0x7d: {  	_ =	shalt  }
0x7e: {  	_ =	shalt  }
0x7f: {  	_ =	shalt  }
0x80: {  	_ =	shalt  }
0x81: {  	_ =	shalt  }
0x82: {  	_ =	shalt  }
0x83: {  	_ =	shalt  }
0x84: {  	_ =	shalt  }
0x85: {  	_ =	shalt  }
0x86: {  	_ =	shalt  }
0x87: {  	_ =	shalt  }
.Lfunc_end0:
.L_simem_size_0:
called_computation_lowered:
.L_overlay_start_0:
0x88: {  	s2 =	sld [smem:$0x3FD9]  }
0x89: {  	s3 =	sld [smem:$0x3FFE];
	_ =	sdelay $0x1  }
0x8a: {  	s1 =	srdreg.scid  }
0x8b: {  	s0 =	sand.u32 $0x1, s1  }
0x8c: {  	s17 =	sshll.u32 s0, $0xA;
	s2 =	sadd.s32 s3, s2  }
0x8d: {  	s2 =	sadd.s32 s2, s17  }
0x8e: {  	[smem:$0x3FBE] =	sst s2  }
0x8f: {  	_ = 	snop  }
0x90: {  	s2 =	sld [smem:$0x3FD0];
	(tm) =	ssettm $0x1  }
0x91: {  	s18 =	sld [smem:$0x3FFB];
	_ =	sdelay $0x3  }
0x92: {  	_ =	strace s18  }
0x93: {  	s3 =	sld [smem:$0x3FFC];
	_ =	sdelay $0x3  }
0x94: {  	_ =	strace s3  }
0x95: {  	s3 =	sld [smem:$0x3FFD];
	_ =	sdelay $0x3  }
0x96: {  	_ =	strace s3  }
0x97: {  	_ =	strace $0x8FFFFFFF  }
0x98: {  	s19 =	sld [smem:$0x3FDB];
	_ =	sdelay $0x1  }
0x99: {  	s4 =	simm.s32 $_scs_section_size  }
0x9a: {  	s5 =	simm.s32 $_size__tile_overlayer_lowered;
	s6 =	simm.s32 $_tile_overlayer_lowered  }
0x9b: {  	s22 =	simm.s32 $0x1BFF;
	s21 =	sshll.u32 s6, $0x1;
	s3 =	sadd.s32 s4, s19  }
0x9c: {  	s7 =	simm.s32 $0x0;
	s20 =	sshll.u32 s5, $0x1;
	s5 =	sadd.s32 s21, s3  }
0x9d: {  	[timem:s7], [sflag:s22] =	dma.local [hbm:s5], s20  }
0x9e: {  	_ =	swait.ge [sflag:s22], s20  }
0x9f: {  	s4 =	ssub.s32 $0x0, s20;
	[sflag:s22] =	ssyncset.done $0x0  }
0xa0: {  	[sflag:s22] =	ssyncadd.s32 s4;
	_ =	sdelay $0x1  }
0xa1: {  	s23 =	simm.s32 $0x1B8B  }
0xa2: {  	_ =	swait.ge [sflag:s23], $0x1  }
0xa3: {  	[sflag:s23] =	ssyncset.done $0x0  }
0xa4: {  	s25 =	simm.s32 $0x1B8E;
	s24 =	sld [smem:$0x3FFE];
	[sflag:s23] =	ssyncadd.s32 $0xFFFFFFFF  }
0xa5: {  	s26 =	simm.s32 $execute0_lowered;
	[smem:$0x3FD2] =	sst s25  }
0xa6: {  	s5 =	sshll.u32 s26, $0x1;
	_ =	strace $0x80000046;
	[dreg:$0x1] =	wrdreg $0xFFFFFFFF  }
0xa7: {  	s28 =	simm.s32 $_size_execute0_lowered;
	s3 =	sadd.s32 s3, s5;
	[dreg:$0x0] =	wrdreg $0x0  }
0xa8: {  	s5 =	sshll.u32 s28, $0x1;
	[dreg:$0x2] =	wrdreg s3  }
0xa9: {  	[dreg:$0x3] =	wrdreg s5  }
0xaa: {  	[dreg:$0x4] =	wrdreg $0xC0  }
0xab: {  	_ =	task [dreg:s7], $0x5FFFF  }
0xac: {  	[dreg:$0x1] =	wrdreg $0xFFFFFFFF  }
0xad: {  	[dreg:$0x0] =	wrdreg $0x60  }
0xae: {  	[dreg:$0x2] =	wrdreg s24  }
0xaf: {  	[dreg:$0x3] =	wrdreg s2  }
0xb0: {  	[dreg:$0x4] =	wrdreg $0x9  }
0xb1: {  	_ =	task.clear_ibuf [dreg:s7], $0x5FFFF;
	_ =	strace $0x90000046  }
0xb2: {  	s29 =	simm.s32 $0x9;
	_ =	strace $0x80000048  }
0xb3: {  	_ =	swait.ge [sflag:s29], $0x1  }
0xb4: {  	[sflag:s29] =	ssyncadd.s32 $0xFFFFFFFF  }
0xb5: {  	_ =	strace $0x90000048  }
0xb6: {  	_ =	sfence  }
0xb7: {  	s30 =	sld [smem:$0x0];
	_ =	sdelay $0x2  }
0xb8: {  	s31 =	sshll.u32 s1, $0xD;
	s1 =	sshrl.u32 s1, $0x2  }
0xb9: {  	s3 =	sand.u32 $0x4000, s31;
	s1 =	sadd.s32 s1, s30  }
0xba: {  	s0 =	sor.u32 s3, s0;
	s1 =	sshll.u32 s1, $0x11  }
0xbb: {  	s0 =	sor.u32 s1, s0  }
0xbc: {  	s0 =	sadd.s32 $0x8F2B, s0  }
0xbd: {  	[sflag:s0] =	ssyncadd.remote.s32 $0x1  }
0xbe: {  	_ =	sfence.sel $0xFFFF  }
0xbf: {  	[dreg:$0x0] =	wrdreg $0xFFFFFFFF;
	(pc) =	sbr.abs _section_cstart, $3  }
0xc0: {  	[dreg:$0x1] =	wrdreg $0xFFFFFFFF  }
0xc1: {  	_ =	task.clear_ibuf [dreg:s7], $0x2FFFF;
	_ =	strace $0x9FFFFFFF  }
0xc2: {  	(tm) =	ssettm $0x7FFFFFFF  }
0xc3: {  	_ =	shalt  }
tec
execute0_lowered:
.L_overlay_start_1:
0x0: {  	(tag) =	ssettag $0x1  }
0x1: {  	s5 =	rddreg [dreg:$0x0]  }
0x2: {  	s1 =	rddreg [dreg:$0x1]  }
0x3: {  	s0 =	rddreg [dreg:$0x2];
	s3 =	simm.s32 $0x0;
	s4 =	srdreg.scid  }
0x4: {  	s2 =	stileid.u32;
	s11 =	simm.s32 $0x2000;
	s12 =	simm.s32 $0x4000  }
0x5: {  	s13 =	simm.s32 $0x6000;
	s14 =	simm.s32 $0x8000;
	s15 =	simm.s32 $0xA000  }
0x6: {  	s16 =	simm.s32 $0xC000;
	s17 =	simm.s32 $0x1;
	s18 =	simm.s32 $0x2  }
0x7: {  	s19 =	simm.s32 $0x0;
	[smem:$0x7FF] =	sst s3;
	s6 =	sand.u32 $0x1, s4  }
0x8: {  	s7 =	sshll.u32 s2, $0xB;
	s4 =	sadd.s32 $0x800, s5;
	s10 =	sshll.u32 s2, $0x13  }
0x9: {  	_ =	strace $0x80000047;
	s8 =	sshll.u32 s6, $0xA;
	s29 =	ssub.s32 $0x2, s6  }
0xa: {  	s6 =	sshll.u32 s6, $0x12;
	s7 =	sor.u32 s8, s7;
	s9 =	sshrl.u32 s29, $0x1  }
0xb: {  	s31 =	sor.u32 s6, s10;
	s10 =	simm.s32 $0x40;
	s5 =	sadd.s32 s7, s5  }
0xc: {  	s30 =	ssub.s32 s29, s9;
	s7 =	sshrl.u32 s31, $0x3;
	s9 =	simm.s32 $0x3  }
0xd: {  	s5 =	sadd.s32 $0x40800, s5;
	s6 =	smax.u32 s30, $0x1;
	s8 =	sadd.s32 s7, s1  }
.LBB2_1:
0xe: {  	[tilespmem:s3], [sflag:$0x3] =	stream.linear.gather [hbm4b:s5+s3], $0x2000, $0x38;
	[tilespmem:$0xE000] =	vst v63  }
0xf: {  	_ =	swait.ge [sflag:s9], $0x2000  }
0x10: {  	[sflag:s9] =	ssyncset.done $0x0  }
0x11: {  	s20 =	simm.s32 $0x0;
	[sflag:s9] =	ssyncadd.s32 $0xFFFFE000  }
0x12: {  	[tilespmem:s11], [sflag:$0x1] =	stream.indirect.gather [hbm4b:s4+s10], $0x80, s20, s10, $0xb8;
	[tilespmem:$0xE000] =	vst v63  }
0x13: {  	s22 =	simm.s32 $0x80  }
0x14: {  	[tilespmem:s12], [sflag:$0x1] =	stream.indirect.gather [hbm4b:s4+s10], $0x80, s22, s10, $0xb8;
	[tilespmem:$0xE000] =	vst v63  }
0x15: {  	s23 =	simm.s32 $0x100  }
0x16: {  	[tilespmem:s13], [sflag:$0x1] =	stream.indirect.gather [hbm4b:s4+s10], $0x80, s23, s10, $0xb8;
	[tilespmem:$0xE000] =	vst v63  }
0x17: {  	s24 =	simm.s32 $0x40  }
0x18: {  	[tilespmem:s14], [sflag:$0x1] =	stream.indirect.gather [hbm4b:s4+s10], $0x80, s24, s10, $0xb8;
	[tilespmem:$0xE000] =	vst v63  }
0x19: {  	s25 =	simm.s32 $0xC0  }
0x1a: {  	[tilespmem:s15], [sflag:$0x1] =	stream.indirect.gather [hbm4b:s4+s10], $0x80, s25, s10, $0xb8;
	[tilespmem:$0xE000] =	vst v63  }
0x1b: {  	s26 =	simm.s32 $0x140  }
0x1c: {  	[tilespmem:s16], [sflag:$0x1] =	stream.indirect.gather [hbm4b:s4+s10], $0x80, s26, s10, $0xb8;
	[tilespmem:$0xE000] =	vst v63  }
0x1d: {  	_ =	swait.ge [sflag:s17], $0x2000  }
0x1e: {  	[sflag:s17] =	ssyncset.done $0x0  }
0x1f: {  	[sflag:s17] =	ssyncadd.s32 $0xFFFFE000  }
0x20: {  	_ =	swait.ge [sflag:s17], $0x2000  }
0x21: {  	[sflag:s17] =	ssyncset.done $0x0  }
0x22: {  	[sflag:s17] =	ssyncadd.s32 $0xFFFFE000  }
0x23: {  	_ =	swait.ge [sflag:s17], $0x2000  }
0x24: {  	s28 =	sadd.s32 $0x0, s7;
	[sflag:s17] =	ssyncset.done $0x0  }
0x25: {  	s21 =	sadd.s32 $0x0, s8;
	s22 =	sor.u32 $0x100000, s28;
	[sflag:s17] =	ssyncadd.s32 $0xFFFFE000  }
0x26: {  	[hbm4b:s21+s3] =	stream.linear.scatter [tilespmem:s11], [sflag:$0x2], $0x2000, $0x38;
	[tilespmem:$0xE000] =	vst v63  }
0x27: {  	s22 =	sadd.s32 s1, s22;
	s23 =	sor.u32 $0x200000, s28  }
0x28: {  	[hbm4b:s22+s3] =	stream.linear.scatter [tilespmem:s12], [sflag:$0x2], $0x2000, $0x38;
	[tilespmem:$0xE000] =	vst v63  }
0x29: {  	s29 =	sadd.s32 s1, s23  }
0x2a: {  	[hbm4b:s29+s3] =	stream.linear.scatter [tilespmem:s13], [sflag:$0x2], $0x2000, $0x38;
	[tilespmem:$0xE000] =	vst v63  }
0x2b: {  	_ =	swait.ge [sflag:s17], $0x2000  }
0x2c: {  	[sflag:s17] =	ssyncset.done $0x0  }
0x2d: {  	[sflag:s17] =	ssyncadd.s32 $0xFFFFE000  }
0x2e: {  	_ =	swait.ge [sflag:s17], $0x2000  }
0x2f: {  	[sflag:s17] =	ssyncset.done $0x0  }
0x30: {  	[sflag:s17] =	ssyncadd.s32 $0xFFFFE000  }
0x31: {  	_ =	swait.ge [sflag:s17], $0x2000  }
0x32: {  	[sflag:s17] =	ssyncset.done $0x0  }
0x33: {  	s30 =	sor.u32 $0x100400, s28;
	s21 =	sadd.s32 $0x400, s21;
	[sflag:s17] =	ssyncadd.s32 $0xFFFFE000  }
0x34: {  	[hbm4b:s21+s3] =	stream.linear.scatter [tilespmem:s14], [sflag:$0x2], $0x2000, $0x38;
	[tilespmem:$0xE000] =	vst v63  }
0x35: {  	s31 =	sadd.s32 s1, s30;
	s20 =	sor.u32 $0x200400, s28  }
0x36: {  	[hbm4b:s31+s3] =	stream.linear.scatter [tilespmem:s15], [sflag:$0x2], $0x2000, $0x38;
	[tilespmem:$0xE000] =	vst v63  }
0x37: {  	s20 =	sadd.s32 s1, s20  }
0x38: {  	[hbm4b:s20+s3] =	stream.linear.scatter [tilespmem:s16], [sflag:$0x2], $0x2000, $0x38;
	[tilespmem:$0xE000] =	vst v63  }
0x39: {  	_ =	swait.ge [sflag:s18], $0x2000  }
0x3a: {  	[sflag:s18] =	ssyncset.done $0x0  }
0x3b: {  	[sflag:s18] =	ssyncadd.s32 $0xFFFFE000  }
0x3c: {  	_ =	swait.ge [sflag:s18], $0x2000  }
0x3d: {  	[sflag:s18] =	ssyncset.done $0x0  }
0x3e: {  	[sflag:s18] =	ssyncadd.s32 $0xFFFFE000  }
0x3f: {  	_ =	swait.ge [sflag:s18], $0x2000  }
0x40: {  	[sflag:s18] =	ssyncset.done $0x0  }
0x41: {  	[sflag:s18] =	ssyncadd.s32 $0xFFFFE000  }
0x42: {  	_ =	swait.ge [sflag:s18], $0x2000  }
0x43: {  	[sflag:s18] =	ssyncset.done $0x0  }
0x44: {  	[sflag:s18] =	ssyncadd.s32 $0xFFFFE000  }
0x45: {  	_ =	swait.ge [sflag:s18], $0x2000  }
0x46: {  	[sflag:s18] =	ssyncset.done $0x0  }
0x47: {  	[sflag:s18] =	ssyncadd.s32 $0xFFFFE000  }
0x48: {  	s22 =	simm.s32 $0x1000;
	s20 =	simm.s32 $0x800;
	_ =	swait.ge [sflag:s18], $0x2000  }
.LBB2_2:
0x49: {  	s23 =	sshra.s32 s20, $0x2  }
0x4a: {  	[sflag:s18] =	ssyncset.done $0x0;
	s24 =	smov.u32 s22;
	s21 =	sadd.s32 $0x800, s22  }
0x4b: {  	p0 =	sne.s32 s22, $0x7800;
	[sflag:s18] =	ssyncadd.s32 $0xFFFFE000  }
0x4c: {  	[tilespmem:s11], [sflag:$0x1] =	stream.indirect.gather [hbm4b:s4+s10], $0x80, s23, s10, $0xb8;
	[tilespmem:$0xE000] =	vst v63  }
0x4d: {  	s22 =	sadd.s32 $0x80, s23  }
0x4e: {  	[tilespmem:s12], [sflag:$0x1] =	stream.indirect.gather [hbm4b:s4+s10], $0x80, s22, s10, $0xb8;
	[tilespmem:$0xE000] =	vst v63  }
0x4f: {  	s22 =	sadd.s32 $0x100, s23  }
0x50: {  	[tilespmem:s13], [sflag:$0x1] =	stream.indirect.gather [hbm4b:s4+s10], $0x80, s22, s10, $0xb8;
	[tilespmem:$0xE000] =	vst v63  }
0x51: {  	s22 =	sadd.s32 $0x40, s23  }
0x52: {  	[tilespmem:s14], [sflag:$0x1] =	stream.indirect.gather [hbm4b:s4+s10], $0x80, s22, s10, $0xb8;
	[tilespmem:$0xE000] =	vst v63  }
0x53: {  	s22 =	sadd.s32 $0xC0, s23  }
0x54: {  	[tilespmem:s15], [sflag:$0x1] =	stream.indirect.gather [hbm4b:s4+s10], $0x80, s22, s10, $0xb8;
	[tilespmem:$0xE000] =	vst v63  }
0x55: {  	s22 =	sadd.s32 $0x140, s23  }
0x56: {  	[tilespmem:s16], [sflag:$0x1] =	stream.indirect.gather [hbm4b:s4+s10], $0x80, s22, s10, $0xb8;
	[tilespmem:$0xE000] =	vst v63  }
0x57: {  	_ =	swait.ge [sflag:s17], $0x2000  }
0x58: {  	[sflag:s17] =	ssyncset.done $0x0  }
0x59: {  	[sflag:s17] =	ssyncadd.s32 $0xFFFFE000  }
0x5a: {  	_ =	swait.ge [sflag:s17], $0x2000  }
0x5b: {  	[sflag:s17] =	ssyncset.done $0x0  }
0x5c: {  	[sflag:s17] =	ssyncadd.s32 $0xFFFFE000  }
0x5d: {  	_ =	swait.ge [sflag:s17], $0x2000  }
0x5e: {  	s23 =	sadd.s32 s20, s8;
	s22 =	sadd.s32 s20, s7;
	[sflag:s17] =	ssyncset.done $0x0  }
0x5f: {  	s20 =	sor.u32 $0x100000, s22;
	s25 =	sor.u32 $0x200000, s22;
	[sflag:s17] =	ssyncadd.s32 $0xFFFFE000  }
0x60: {  	[hbm4b:s23+s3] =	stream.linear.scatter [tilespmem:s11], [sflag:$0x2], $0x2000, $0x38;
	[tilespmem:$0xE000] =	vst v63  }
0x61: {  	s26 =	sor.u32 $0x100400, s22;
	s20 =	sadd.s32 s1, s20;
	s25 =	sadd.s32 s1, s25  }
0x62: {  	[hbm4b:s20+s3] =	stream.linear.scatter [tilespmem:s12], [sflag:$0x2], $0x2000, $0x38;
	[tilespmem:$0xE000] =	vst v63  }
0x63: {  	s22 =	sor.u32 $0x200400, s22;
	s20 =	smov.u32 s24  }
0x64: {  	[hbm4b:s25+s3] =	stream.linear.scatter [tilespmem:s13], [sflag:$0x2], $0x2000, $0x38;
	[tilespmem:$0xE000] =	vst v63  }
0x65: {  	_ =	swait.ge [sflag:s17], $0x2000  }
0x66: {  	[sflag:s17] =	ssyncset.done $0x0  }
0x67: {  	[sflag:s17] =	ssyncadd.s32 $0xFFFFE000  }
0x68: {  	_ =	swait.ge [sflag:s17], $0x2000  }
0x69: {  	[sflag:s17] =	ssyncset.done $0x0  }
0x6a: {  	[sflag:s17] =	ssyncadd.s32 $0xFFFFE000  }
0x6b: {  	_ =	swait.ge [sflag:s17], $0x2000  }
0x6c: {  	s23 =	sadd.s32 $0x400, s23;
	[sflag:s17] =	ssyncset.done $0x0  }
0x6d: {  	s24 =	sadd.s32 s1, s26;
	[sflag:s17] =	ssyncadd.s32 $0xFFFFE000  }
0x6e: {  	[hbm4b:s23+s3] =	stream.linear.scatter [tilespmem:s14], [sflag:$0x2], $0x2000, $0x38;
	[tilespmem:$0xE000] =	vst v63  }
0x6f: {  	s22 =	sadd.s32 s1, s22  }
0x70: {  	[hbm4b:s24+s3] =	stream.linear.scatter [tilespmem:s15], [sflag:$0x2], $0x2000, $0x38;
	[tilespmem:$0xE000] =	vst v63  }
0x71: {  	_ = 	snop  }
0x72: {  	[hbm4b:s22+s3] =	stream.linear.scatter [tilespmem:s16], [sflag:$0x2], $0x2000, $0x38;
	[tilespmem:$0xE000] =	vst v63  }
0x73: {  	_ =	swait.ge [sflag:s18], $0x2000  }
0x74: {  	[sflag:s18] =	ssyncset.done $0x0  }
0x75: {  	[sflag:s18] =	ssyncadd.s32 $0xFFFFE000  }
0x76: {  	_ =	swait.ge [sflag:s18], $0x2000  }
0x77: {  	[sflag:s18] =	ssyncset.done $0x0  }
0x78: {  	[sflag:s18] =	ssyncadd.s32 $0xFFFFE000  }
0x79: {  	_ =	swait.ge [sflag:s18], $0x2000  }
0x7a: {  	[sflag:s18] =	ssyncset.done $0x0  }
0x7b: {  	[sflag:s18] =	ssyncadd.s32 $0xFFFFE000  }
0x7c: {  	_ =	swait.ge [sflag:s18], $0x2000  }
0x7d: {  	[sflag:s18] =	ssyncset.done $0x0  }
.Ltmp0:
0x7e: {  	[sflag:s18] =	ssyncadd.s32 $0xFFFFE000;
	(pc) =	sbr.rel @p0 .LBB2_2-.Ltmp0, $4  }
0x7f: {  	_ =	swait.ge [sflag:s18], $0x2000  }
0x80: {  	[sflag:s18] =	ssyncset.done $0x0  }
0x81: {  	[sflag:s18] =	ssyncadd.s32 $0xFFFFE000  }
0x82: {  	s22 =	smov.u32 s21;
	_ =	swait.ge [sflag:s18], $0x2000  }
0x83: {  	[sflag:s18] =	ssyncset.done $0x0  }
0x84: {  	s21 =	sshra.s32 s20, $0x2;
	[sflag:s18] =	ssyncadd.s32 $0xFFFFE000  }
0x85: {  	[tilespmem:s11], [sflag:$0x1] =	stream.indirect.gather [hbm4b:s4+s10], $0x80, s21, s10, $0xb8;
	[tilespmem:$0xE000] =	vst v63  }
0x86: {  	s22 =	sadd.s32 $0x80, s21  }
0x87: {  	[tilespmem:s12], [sflag:$0x1] =	stream.indirect.gather [hbm4b:s4+s10], $0x80, s22, s10, $0xb8;
	[tilespmem:$0xE000] =	vst v63  }
0x88: {  	s30 =	sadd.s32 $0x100, s21  }
0x89: {  	[tilespmem:s13], [sflag:$0x1] =	stream.indirect.gather [hbm4b:s4+s10], $0x80, s30, s10, $0xb8;
	[tilespmem:$0xE000] =	vst v63  }
0x8a: {  	s31 =	sadd.s32 $0x40, s21  }
0x8b: {  	[tilespmem:s14], [sflag:$0x1] =	stream.indirect.gather [hbm4b:s4+s10], $0x80, s31, s10, $0xb8;
	[tilespmem:$0xE000] =	vst v63  }
0x8c: {  	s23 =	sadd.s32 $0xC0, s21  }
0x8d: {  	[tilespmem:s15], [sflag:$0x1] =	stream.indirect.gather [hbm4b:s4+s10], $0x80, s23, s10, $0xb8;
	[tilespmem:$0xE000] =	vst v63  }
0x8e: {  	s21 =	sadd.s32 $0x140, s21  }
0x8f: {  	[tilespmem:s16], [sflag:$0x1] =	stream.indirect.gather [hbm4b:s4+s10], $0x80, s21, s10, $0xb8;
	[tilespmem:$0xE000] =	vst v63  }
0x90: {  	_ =	swait.ge [sflag:s17], $0x2000  }
0x91: {  	[sflag:s17] =	ssyncset.done $0x0  }
0x92: {  	[sflag:s17] =	ssyncadd.s32 $0xFFFFE000  }
0x93: {  	_ =	swait.ge [sflag:s17], $0x2000  }
0x94: {  	[sflag:s17] =	ssyncset.done $0x0  }
0x95: {  	[sflag:s17] =	ssyncadd.s32 $0xFFFFE000  }
0x96: {  	_ =	swait.ge [sflag:s17], $0x2000  }
0x97: {  	s24 =	sadd.s32 s20, s7;
	[sflag:s17] =	ssyncset.done $0x0  }
0x98: {  	s25 =	sadd.s32 s20, s8;
	s26 =	sor.u32 $0x100000, s24;
	[sflag:s17] =	ssyncadd.s32 $0xFFFFE000  }
0x99: {  	[hbm4b:s25+s3] =	stream.linear.scatter [tilespmem:s11], [sflag:$0x2], $0x2000, $0x38;
	[tilespmem:$0xE000] =	vst v63  }
0x9a: {  	s22 =	sadd.s32 s1, s26;
	s23 =	sor.u32 $0x200000, s24  }
0x9b: {  	[hbm4b:s22+s3] =	stream.linear.scatter [tilespmem:s12], [sflag:$0x2], $0x2000, $0x38;
	[tilespmem:$0xE000] =	vst v63  }
0x9c: {  	s28 =	sadd.s32 s1, s23  }
0x9d: {  	[hbm4b:s28+s3] =	stream.linear.scatter [tilespmem:s13], [sflag:$0x2], $0x2000, $0x38;
	[tilespmem:$0xE000] =	vst v63  }
0x9e: {  	_ =	swait.ge [sflag:s17], $0x2000  }
0x9f: {  	[sflag:s17] =	ssyncset.done $0x0  }
0xa0: {  	[sflag:s17] =	ssyncadd.s32 $0xFFFFE000  }
0xa1: {  	_ =	swait.ge [sflag:s17], $0x2000  }
0xa2: {  	[sflag:s17] =	ssyncset.done $0x0  }
0xa3: {  	[sflag:s17] =	ssyncadd.s32 $0xFFFFE000  }
0xa4: {  	_ =	swait.ge [sflag:s17], $0x2000  }
0xa5: {  	[sflag:s17] =	ssyncset.done $0x0  }
0xa6: {  	s29 =	sor.u32 $0x100400, s24;
	s20 =	sadd.s32 $0x400, s25;
	[sflag:s17] =	ssyncadd.s32 $0xFFFFE000  }
0xa7: {  	[hbm4b:s20+s3] =	stream.linear.scatter [tilespmem:s14], [sflag:$0x2], $0x2000, $0x38;
	[tilespmem:$0xE000] =	vst v63  }
0xa8: {  	s30 =	sor.u32 $0x200400, s24;
	s31 =	sadd.s32 s1, s29  }
0xa9: {  	[hbm4b:s31+s3] =	stream.linear.scatter [tilespmem:s15], [sflag:$0x2], $0x2000, $0x38;
	[tilespmem:$0xE000] =	vst v63  }
0xaa: {  	s20 =	sadd.s32 s1, s30  }
0xab: {  	[hbm4b:s20+s3] =	stream.linear.scatter [tilespmem:s16], [sflag:$0x2], $0x2000, $0x38;
	[tilespmem:$0xE000] =	vst v63  }
0xac: {  	_ =	swait.ge [sflag:s18], $0x2000  }
0xad: {  	[sflag:s18] =	ssyncset.done $0x0  }
0xae: {  	[sflag:s18] =	ssyncadd.s32 $0xFFFFE000  }
0xaf: {  	_ =	swait.ge [sflag:s18], $0x2000  }
0xb0: {  	[sflag:s18] =	ssyncset.done $0x0  }
0xb1: {  	[sflag:s18] =	ssyncadd.s32 $0xFFFFE000  }
0xb2: {  	_ =	swait.ge [sflag:s18], $0x2000  }
0xb3: {  	[sflag:s18] =	ssyncset.done $0x0  }
0xb4: {  	[sflag:s18] =	ssyncadd.s32 $0xFFFFE000  }
0xb5: {  	_ =	swait.ge [sflag:s18], $0x2000  }
0xb6: {  	[sflag:s18] =	ssyncset.done $0x0  }
0xb7: {  	s19 =	sadd.s32 $0x1, s19;
	[sflag:s18] =	ssyncadd.s32 $0xFFFFE000  }
0xb8: {  	p0 =	sne.s32 s19, s6;
	_ =	swait.ge [sflag:s18], $0x2000  }
.Ltmp1:
0xb9: {  	[sflag:s18] =	ssyncset.done $0x0;
	(pc) =	sbr.rel @p0 .LBB2_1-.Ltmp1, $4  }
0xba: {  	[sflag:s18] =	ssyncadd.s32 $0xFFFFE000  }
0xbb: {  	_ =	swait.ge [sflag:s18], $0x2000  }
0xbc: {  	[sflag:s18] =	ssyncset.done $0x0  }
0xbd: {  	[sflag:s18] =	ssyncadd.s32 $0xFFFFE000  }
0xbe: {  	_ =	sfence.sel $0x180000  }
0xbf: {  	[bflag:$0x0] =	sbarrier.arrive $0xFFFF  }
0xc0: {  	p0 =	sne.s32 s2, $0x0;
	_ =	strace $0x90000047  }
0xc1: {  	s0 =	sadd.s32 @!p0 $0x100000, s0;
	[bflag:$0x2] =	sbarrier.arrive $0xFFFF  }
0xc2: {  	[sflag:s0] =	ssyncadd.tile.s32 @!p0 $0x1;
	_ =	shalt  }
.Lfunc_end2:
_tile_overlayer_lowered:
.L_overlay_start_2:
0xc3: {  	(tag) =	ssettag $0x2  }
0xc4: {  	s0 =	rddreg [dreg:$0x0];
	s2 =	stileid.u32  }
0xc5: {  	s1 =	rddreg [dreg:$0x1];
	p0 =	sne.s32 s2, $0x0  }
0xc6: {  	s3 =	rddreg [dreg:$0x2];
	[bflag:$0x3] =	sbarrier.arrive $0xFFFF;
	s2 =	simm.s32 @!p0 $0x1C03  }
0xc7: {  	[timem:s3], [sflag:s2] =	dma.local @!p0 [hbm:s0], s1  }
0xc8: {  	s0 =	simm.s32 @!p0 $0x3  }
0xc9: {  	_ =	swait.ge @!p0 [sflag:s0], s1  }
0xca: {  	s1 =	ssub.s32 @!p0 $0x0, s1;
	[sflag:s0] =	ssyncset.done @!p0 $0x0  }
0xcb: {  	[sflag:s0] =	ssyncadd.s32 @!p0 s1  }
0xcc: {  	[bflag:$0x3] =	sbarrier.arrive $0xFFFF  }
0xcd: {  	_ =	shalt  }

</sc_bundles>
